<compile_context>
chip_gen: v7x
topology: tpu7x:2x2x1
jax: 0.10.2.dev20260603
libtpu: 0.0.44.dev20260713+nightly
codegen_flags: <defaults>
</compile_context>

<pallas_src>
import functools

import jax
import jax.numpy as jnp
from jax import lax
from jax.experimental import pallas as pl
from jax.experimental.pallas import tpu as pltpu
from jax.experimental.pallas import tpu_sc as plsc

BLK = 2048
CHUNK = 128


def _tc_body(z_ref, w_ref, idx_ref, loss_ref):
    i = pl.program_id(0)
    z = z_ref[...]
    w = w_ref[...]
    e = w.shape[0]
    blk = z.shape[0]
    s = lax.dot_general(w, z, (((1,), (1,)), ((), ())),
                        preferred_element_type=jnp.float32)
    zsq = jnp.sum(z * z, axis=1, keepdims=True).T
    wsq = jnp.sum(w * w, axis=1, keepdims=True)
    d = (zsq - 2.0 * s) + wsq
    dmin = jnp.min(d, axis=0, keepdims=True)
    iota = lax.broadcasted_iota(jnp.int32, d.shape, 0)
    idx = jnp.min(jnp.where(d == dmin, iota, e), axis=0)
    idx_ref[...] = idx.reshape(1, 1, blk)

    @pl.when(i == 0)
    def _():
        loss_ref[...] = jnp.zeros_like(loss_ref)

    loss_ref[...] += jnp.sum(dmin)


def _distance_argmin(z, W):
    n, d = z.shape
    e = W.shape[0]
    nblk = n // BLK
    return pl.pallas_call(
        _tc_body,
        grid=(nblk,),
        in_specs=[
            pl.BlockSpec((BLK, d), lambda i: (i, 0)),
            pl.BlockSpec((e, d), lambda i: (0, 0)),
        ],
        out_specs=[
            pl.BlockSpec((1, 1, BLK), lambda i: (i, 0, 0)),
            pl.BlockSpec((1, 1), lambda i: (0, 0)),
        ],
        out_shape=[
            jax.ShapeDtypeStruct((nblk, 1, BLK), jnp.int32),
            jax.ShapeDtypeStruct((1, 1), jnp.float32),
        ],
    )(z, W)


T = 256


def _sc_gather(w_flat, idx_flat, d):
    n = idx_flat.shape[0]
    ed = w_flat.shape[0]
    info = plsc.get_sparse_core_info()
    nw = info.num_cores * info.num_subcores
    tok_per_w = n // nw
    nchunks = tok_per_w // T
    mesh = plsc.VectorSubcoreMesh(core_axis_name="c", subcore_axis_name="s")

    @functools.partial(
        pl.kernel,
        out_type=jax.ShapeDtypeStruct((n, d), jnp.float32),
        mesh=mesh,
        compiler_params=pltpu.CompilerParams(needs_layout_passes=False),
        scratch_types=[
            pltpu.VMEM((ed,), jnp.float32),
            pltpu.VMEM((T,), jnp.int32),
            pltpu.VMEM((T, d), jnp.float32),
            pltpu.VMEM((T, d), jnp.float32),
            pltpu.SemaphoreType.DMA,
            pltpu.SemaphoreType.DMA,
        ],
    )
    def k(w_hbm, idx_hbm, out_hbm, w_v, idx_v, ob0, ob1, sem0, sem1):
        wid = lax.axis_index("s") * info.num_cores + lax.axis_index("c")
        tok0 = wid * tok_per_w
        pltpu.sync_copy(w_hbm, w_v)
        iota16 = lax.iota(jnp.int32, 16)
        obs = (ob0, ob1)
        sems = (sem0, sem1)

        def pair_body(p, carry):
            for b in range(2):
                kk = 2 * p + b
                out_v = obs[b]

                pltpu.sync_copy(idx_hbm.at[pl.ds(tok0 + kk * T, T)], idx_v)

                @pl.when(kk >= 2)
                def _():
                    pltpu.make_async_copy(
                        out_v, out_hbm.at[pl.ds(tok0, T)], sems[b]).wait()

                @plsc.parallel_loop(0, T // 16, 1, unroll=4)
                def group_body(g):
                    iv = idx_v[pl.ds(g * 16, 16)]
                    addr = iv * d
                    rows = iota16 + g * 16
                    for c0 in range(0, d, 8):
                        vals = [plsc.load_gather(w_v, [addr + (c0 + j)])
                                for j in range(8)]
                        for j in range(8):
                            plsc.store_scatter(
                                out_v, [rows, iota16 * 0 + (c0 + j)], vals[j])

                pltpu.async_copy(
                    out_v, out_hbm.at[pl.ds(tok0 + kk * T, T)], sems[b])
            return carry

        lax.fori_loop(0, nchunks // 2, pair_body, 0, unroll=False)
        for b in range(2):
            pltpu.make_async_copy(
                obs[b], out_hbm.at[pl.ds(tok0, T)], sems[b]).wait()

    return k(w_flat, idx_flat)


def kernel(z, W):
    n, d = z.shape
    idx3, loss_sum = _distance_argmin(z, W)
    idx = idx3.reshape(n)
    zq = _sc_gather(W.reshape(-1), idx, d)
    loss = 1.25 * loss_sum[0, 0] / (n * d)
    return (zq, idx, loss)

# --- scband reference (transcript-rebuilt; emitter-appended) ---
"""Pipeline reference for scband-vector-quantizer-33672543600894 (READ-ONLY COPY).

The authoritative reference and input builder live on the scoring server;
editing this copy changes nothing except your own understanding.
"""

import jax, jax.numpy as jnp
import numpy as np

NUM_EMBEDDINGS = 512
EMBEDDING_DIM = 32
N_TOKENS = 262144
COMMITMENT_COST = 0.25


def setup_inputs(seed: int = 0) -> dict:
    key = jax.random.key(seed)
    k1, k2 = jax.random.split(key)
    z = jax.random.normal(k1, (N_TOKENS, EMBEDDING_DIM), dtype=jnp.float32)
    W = jax.random.uniform(
        k2,
        (NUM_EMBEDDINGS, EMBEDDING_DIM),
        minval=-1.0 / NUM_EMBEDDINGS,
        maxval=1.0 / NUM_EMBEDDINGS,
        dtype=jnp.float32,
    )
    return {"z": z, "W": W}


def reference(z, W):
    # pairwise squared distances: ||z||^2 - 2 z W^T + ||W||^2
    d = (
        jnp.sum(z ** 2, axis=1, keepdims=True)
        - 2.0 * (z @ W.T)
        + jnp.sum(W ** 2, axis=1)
    )
    idx = jnp.argmin(d, axis=1)
    zq = jnp.take(W, idx, axis=0)  # embedding gather
    loss = jnp.mean((jax.lax.stop_gradient(zq) - z) ** 2) + COMMITMENT_COST * jnp.mean(
        (zq - jax.lax.stop_gradient(z)) ** 2
    )
    zq_st = z + jax.lax.stop_gradient(zq - z)  # straight-through estimator
    return (zq_st, idx, loss)

if __name__ == "__main__":
    import jax
    _d = setup_inputs()
    print(jax.jit(kernel)(*tuple(_d.values())))

</pallas_src>

<mosaic_0001>
#map = affine_map<(d0, d1) -> (0)>
#map1 = affine_map<(d0, d1) -> (0, 0)>
module attributes {stable_mosaic.version = 14 : i64} {
  func.func @k(%arg0: i32, %arg1: i32, %arg2: memref<16384xf32, #tpu.memory_space<hbm>>, %arg3: memref<262144xi32, #tpu.memory_space<hbm>>, %arg4: memref<262144x32xf32, #tpu.memory_space<hbm>>, %arg5: memref<16384xf32, #tpu.memory_space<vmem>>, %arg6: memref<256xi32, #tpu.memory_space<vmem>>, %arg7: memref<256x32xf32, #tpu.memory_space<vmem>>, %arg8: memref<256x32xf32, #tpu.memory_space<vmem>>, %arg9: memref<!tpu.dma_semaphore, #tpu.memory_space<semaphore_mem>>, %arg10: memref<!tpu.dma_semaphore, #tpu.memory_space<semaphore_mem>>) attributes {dimension_semantics = [#tpu.dimension_semantics<core_parallel>, #tpu.dimension_semantics<subcore_parallel>], iteration_bounds = array<i64: 2, 16>, scalar_prefetch = 0 : i64, scratch_operands = 6 : i64, tpu.core_type = #tpu.core_type<sc_vector_subcore>, window_params = [{transform_indices = #map}, {transform_indices = #map}, {transform_indices = #map1}]} {
    %mul3A = arith.constant 2 : i32
    %mul3A_0 = arith.muli %arg1, %mul3A : i32
    %add3A = arith.addi %mul3A_0, %arg0 : i32
    %mul3A_1 = arith.constant 8192 : i32
    %mul3A_2 = arith.muli %add3A, %mul3A_1 : i32
    "tpu.region"() ({
      %run_scoped3A = tpu.sem_alloc : memref<!tpu.dma_semaphore, #tpu.memory_space<semaphore_mem>>
      tpu.enqueue_dma source(%arg2 : memref<16384xf32, #tpu.memory_space<hbm>>) target(%arg5 : memref<16384xf32, #tpu.memory_space<vmem>>) target_semaphore(%run_scoped3A : memref<!tpu.dma_semaphore, #tpu.memory_space<semaphore_mem>>)
      tpu.wait_dma2 semaphore(%run_scoped3A : memref<!tpu.dma_semaphore, #tpu.memory_space<semaphore_mem>>) src(%arg2 : memref<16384xf32, #tpu.memory_space<hbm>>) dst(%arg5 : memref<16384xf32, #tpu.memory_space<vmem>>)
      tpu.yield
    }) : () -> ()
    %iota3A = tpu.iota {dimensions = array<i32: 0>} : vector<16xi32>
    %scan3A = arith.constant 0 : i32
    %scan3A_3 = arith.constant 0 : i32
    %scan3A_4 = arith.constant 16 : i32
    %scan3A_5 = arith.addi %scan3A_3, %scan3A_4 : i32
    %scan3A_6 = arith.constant 1 : i32
    scf.for %scan3A_15 = %scan3A_3 to %scan3A_5 step %scan3A_6  : i32 {
      %mul3A_16 = arith.constant 2 : i32
      %mul3A_17 = arith.muli %mul3A_16, %scan3A_15 : i32
      %add3A_18 = arith.constant 0 : i32
      %add3A_19 = arith.addi %mul3A_17, %add3A_18 : i32
      %mul3A_20 = arith.constant 256 : i32
      %mul3A_21 = arith.muli %add3A_19, %mul3A_20 : i32
      %add3A_22 = arith.addi %mul3A_2, %mul3A_21 : i32
      "tpu.region"() ({
        %run_scoped3A = tpu.sem_alloc : memref<!tpu.dma_semaphore, #tpu.memory_space<semaphore_mem>>
        %dma_start3A_55 = tpu.memref_slice %arg3[%add3A_22] : memref<262144xi32, #tpu.memory_space<hbm>> -> memref<256xi32, #tpu.memory_space<hbm>>
        %dma_start3A_56 = tpu.memref_slice %arg3[%add3A_22] : memref<262144xi32, #tpu.memory_space<hbm>> -> memref<256xi32, #tpu.memory_space<hbm>>
        tpu.enqueue_dma source(%dma_start3A_56 : memref<256xi32, #tpu.memory_space<hbm>>) target(%arg6 : memref<256xi32, #tpu.memory_space<vmem>>) target_semaphore(%run_scoped3A : memref<!tpu.dma_semaphore, #tpu.memory_space<semaphore_mem>>)
        %dma_wait3A_57 = tpu.memref_slice %arg3[%add3A_22] : memref<262144xi32, #tpu.memory_space<hbm>> -> memref<256xi32, #tpu.memory_space<hbm>>
        %dma_wait3A_58 = tpu.memref_slice %arg3[%add3A_22] : memref<262144xi32, #tpu.memory_space<hbm>> -> memref<256xi32, #tpu.memory_space<hbm>>
        tpu.wait_dma2 semaphore(%run_scoped3A : memref<!tpu.dma_semaphore, #tpu.memory_space<semaphore_mem>>) src(%dma_wait3A_58 : memref<256xi32, #tpu.memory_space<hbm>>) dst(%arg6 : memref<256xi32, #tpu.memory_space<vmem>>)
        tpu.yield
      }) : () -> ()
      %ge3A = arith.constant 2 : i32
      %ge3A_23 = arith.cmpi sge, %add3A_19, %ge3A : i32
      %convert_element_type3A = arith.extui %ge3A_23 : i1 to i32
      %cond3A = arith.constant 0 : i32
      %cond3A_24 = arith.cmpi ne, %convert_element_type3A, %cond3A : i32
      scf.if %cond3A_24 {
        %dma_wait3A_55 = arith.constant 0 : i32
        %dma_wait3A_56 = tpu.memref_slice %arg4[%mul3A_2, %dma_wait3A_55] : memref<262144x32xf32, #tpu.memory_space<hbm>> -> memref<256x32xf32, #tpu.memory_space<hbm>>
        %dma_wait3A_57 = arith.constant 0 : i32
        %dma_wait3A_58 = tpu.memref_slice %arg4[%mul3A_2, %dma_wait3A_57] : memref<262144x32xf32, #tpu.memory_space<hbm>> -> memref<256x32xf32, #tpu.memory_space<hbm>>
        tpu.wait_dma2 semaphore(%arg9 : memref<!tpu.dma_semaphore, #tpu.memory_space<semaphore_mem>>) src(%arg7 : memref<256x32xf32, #tpu.memory_space<vmem>>) dst(%dma_wait3A_58 : memref<256x32xf32, #tpu.memory_space<hbm>>)
      } else {
      }
      %parallel_loop3A = arith.constant 0 : i32
      %parallel_loop3A_25 = arith.constant 16 : i32
      %parallel_loop3A_26 = arith.constant 1 : i32
      scf.for %parallel_loop3A_55 = %parallel_loop3A to %parallel_loop3A_25 step %parallel_loop3A_26  : i32 {
        %parallel_loop3A_56 = arith.constant 16 : i32
        %parallel_loop3A_57 = arith.muli %parallel_loop3A_55, %parallel_loop3A_56 : i32
        %parallel_loop3A_58 = arith.index_cast %parallel_loop3A_57 : i32 to index
        %parallel_loop3A_59 = tpu.vector_load %arg6[%parallel_loop3A_58] {strides = array<i32>} : memref<256xi32, #tpu.memory_space<vmem>>, vector<16xi32>,
        %parallel_loop3A_60 = arith.constant 32 : i32
        %parallel_loop3A_61 = vector.broadcast %parallel_loop3A_60 : i32 to vector<16xi32>
        %parallel_loop3A_62 = arith.muli %parallel_loop3A_59, %parallel_loop3A_61 : vector<16xi32>
        %parallel_loop3A_63 = arith.constant 16 : i32
        %parallel_loop3A_64 = arith.muli %parallel_loop3A_55, %parallel_loop3A_63 : i32
        %parallel_loop3A_65 = vector.broadcast %parallel_loop3A_64 : i32 to vector<16xi32>
        %parallel_loop3A_66 = arith.addi %iota3A, %parallel_loop3A_65 : vector<16xi32>
        %parallel_loop3A_67 = arith.constant 0 : i32
        %parallel_loop3A_68 = vector.broadcast %parallel_loop3A_67 : i32 to vector<16xi32>
        %parallel_loop3A_69 = arith.addi %parallel_loop3A_62, %parallel_loop3A_68 : vector<16xi32>
        %parallel_loop3A_70 = tpu.vector_load_idx %arg5[%parallel_loop3A_69] : memref<16384xf32, #tpu.memory_space<vmem>>[vector<16xi32>], vector<16xf32>,
        %parallel_loop3A_71 = arith.constant 1 : i32
        %parallel_loop3A_72 = vector.broadcast %parallel_loop3A_71 : i32 to vector<16xi32>
        %parallel_loop3A_73 = arith.addi %parallel_loop3A_62, %parallel_loop3A_72 : vector<16xi32>
        %parallel_loop3A_74 = tpu.vector_load_idx %arg5[%parallel_loop3A_73] : memref<16384xf32, #tpu.memory_space<vmem>>[vector<16xi32>], vector<16xf32>,
        %parallel_loop3A_75 = arith.constant 2 : i32
        %parallel_loop3A_76 = vector.broadcast %parallel_loop3A_75 : i32 to vector<16xi32>
        %parallel_loop3A_77 = arith.addi %parallel_loop3A_62, %parallel_loop3A_76 : vector<16xi32>
        %parallel_loop3A_78 = tpu.vector_load_idx %arg5[%parallel_loop3A_77] : memref<16384xf32, #tpu.memory_space<vmem>>[vector<16xi32>], vector<16xf32>,
        %parallel_loop3A_79 = arith.constant 3 : i32
        %parallel_loop3A_80 = vector.broadcast %parallel_loop3A_79 : i32 to vector<16xi32>
        %parallel_loop3A_81 = arith.addi %parallel_loop3A_62, %parallel_loop3A_80 : vector<16xi32>
        %parallel_loop3A_82 = tpu.vector_load_idx %arg5[%parallel_loop3A_81] : memref<16384xf32, #tpu.memory_space<vmem>>[vector<16xi32>], vector<16xf32>,
        %parallel_loop3A_83 = arith.constant 4 : i32
        %parallel_loop3A_84 = vector.broadcast %parallel_loop3A_83 : i32 to vector<16xi32>
        %parallel_loop3A_85 = arith.addi %parallel_loop3A_62, %parallel_loop3A_84 : vector<16xi32>
        %parallel_loop3A_86 = tpu.vector_load_idx %arg5[%parallel_loop3A_85] : memref<16384xf32, #tpu.memory_space<vmem>>[vector<16xi32>], vector<16xf32>,
        %parallel_loop3A_87 = arith.constant 5 : i32
        %parallel_loop3A_88 = vector.broadcast %parallel_loop3A_87 : i32 to vector<16xi32>
        %parallel_loop3A_89 = arith.addi %parallel_loop3A_62, %parallel_loop3A_88 : vector<16xi32>
        %parallel_loop3A_90 = tpu.vector_load_idx %arg5[%parallel_loop3A_89] : memref<16384xf32, #tpu.memory_space<vmem>>[vector<16xi32>], vector<16xf32>,
        %parallel_loop3A_91 = arith.constant 6 : i32
        %parallel_loop3A_92 = vector.broadcast %parallel_loop3A_91 : i32 to vector<16xi32>
        %parallel_loop3A_93 = arith.addi %parallel_loop3A_62, %parallel_loop3A_92 : vector<16xi32>
        %parallel_loop3A_94 = tpu.vector_load_idx %arg5[%parallel_loop3A_93] : memref<16384xf32, #tpu.memory_space<vmem>>[vector<16xi32>], vector<16xf32>,
        %parallel_loop3A_95 = arith.constant 7 : i32
        %parallel_loop3A_96 = vector.broadcast %parallel_loop3A_95 : i32 to vector<16xi32>
        %parallel_loop3A_97 = arith.addi %parallel_loop3A_62, %parallel_loop3A_96 : vector<16xi32>
        %parallel_loop3A_98 = tpu.vector_load_idx %arg5[%parallel_loop3A_97] : memref<16384xf32, #tpu.memory_space<vmem>>[vector<16xi32>], vector<16xf32>,
        %parallel_loop3A_99 = arith.constant 0 : i32
        %parallel_loop3A_100 = vector.broadcast %parallel_loop3A_99 : i32 to vector<16xi32>
        %parallel_loop3A_101 = arith.muli %iota3A, %parallel_loop3A_100 : vector<16xi32>
        %parallel_loop3A_102 = arith.constant 0 : i32
        %parallel_loop3A_103 = vector.broadcast %parallel_loop3A_102 : i32 to vector<16xi32>
        %parallel_loop3A_104 = arith.addi %parallel_loop3A_101, %parallel_loop3A_103 : vector<16xi32>
        tpu.vector_store_idx %arg7[%parallel_loop3A_66, %parallel_loop3A_104], %parallel_loop3A_70 : memref<256x32xf32, #tpu.memory_space<vmem>>[vector<16xi32>, vector<16xi32>], vector<16xf32>,
        %parallel_loop3A_105 = arith.constant 0 : i32
        %parallel_loop3A_106 = vector.broadcast %parallel_loop3A_105 : i32 to vector<16xi32>
        %parallel_loop3A_107 = arith.muli %iota3A, %parallel_loop3A_106 : vector<16xi32>
        %parallel_loop3A_108 = arith.constant 1 : i32
        %parallel_loop3A_109 = vector.broadcast %parallel_loop3A_108 : i32 to vector<16xi32>
        %parallel_loop3A_110 = arith.addi %parallel_loop3A_107, %parallel_loop3A_109 : vector<16xi32>
        tpu.vector_store_idx %arg7[%parallel_loop3A_66, %parallel_loop3A_110], %parallel_loop3A_74 : memref<256x32xf32, #tpu.memory_space<vmem>>[vector<16xi32>, vector<16xi32>], vector<16xf32>,
        %parallel_loop3A_111 = arith.constant 0 : i32
        %parallel_loop3A_112 = vector.broadcast %parallel_loop3A_111 : i32 to vector<16xi32>
        %parallel_loop3A_113 = arith.muli %iota3A, %parallel_loop3A_112 : vector<16xi32>
        %parallel_loop3A_114 = arith.constant 2 : i32
        %parallel_loop3A_115 = vector.broadcast %parallel_loop3A_114 : i32 to vector<16xi32>
        %parallel_loop3A_116 = arith.addi %parallel_loop3A_113, %parallel_loop3A_115 : vector<16xi32>
        tpu.vector_store_idx %arg7[%parallel_loop3A_66, %parallel_loop3A_116], %parallel_loop3A_78 : memref<256x32xf32, #tpu.memory_space<vmem>>[vector<16xi32>, vector<16xi32>], vector<16xf32>,
        %parallel_loop3A_117 = arith.constant 0 : i32
        %parallel_loop3A_118 = vector.broadcast %parallel_loop3A_117 : i32 to vector<16xi32>
        %parallel_loop3A_119 = arith.muli %iota3A, %parallel_loop3A_118 : vector<16xi32>
        %parallel_loop3A_120 = arith.constant 3 : i32
        %parallel_loop3A_121 = vector.broadcast %parallel_loop3A_120 : i32 to vector<16xi32>
        %parallel_loop3A_122 = arith.addi %parallel_loop3A_119, %parallel_loop3A_121 : vector<16xi32>
        tpu.vector_store_idx %arg7[%parallel_loop3A_66, %parallel_loop3A_122], %parallel_loop3A_82 : memref<256x32xf32, #tpu.memory_space<vmem>>[vector<16xi32>, vector<16xi32>], vector<16xf32>,
        %parallel_loop3A_123 = arith.constant 0 : i32
        %parallel_loop3A_124 = vector.broadcast %parallel_loop3A_123 : i32 to vector<16xi32>
        %parallel_loop3A_125 = arith.muli %iota3A, %parallel_loop3A_124 : vector<16xi32>
        %parallel_loop3A_126 = arith.constant 4 : i32
        %parallel_loop3A_127 = vector.broadcast %parallel_loop3A_126 : i32 to vector<16xi32>
        %parallel_loop3A_128 = arith.addi %parallel_loop3A_125, %parallel_loop3A_127 : vector<16xi32>
        tpu.vector_store_idx %arg7[%parallel_loop3A_66, %parallel_loop3A_128], %parallel_loop3A_86 : memref<256x32xf32, #tpu.memory_space<vmem>>[vector<16xi32>, vector<16xi32>], vector<16xf32>,
        %parallel_loop3A_129 = arith.constant 0 : i32
        %parallel_loop3A_130 = vector.broadcast %parallel_loop3A_129 : i32 to vector<16xi32>
        %parallel_loop3A_131 = arith.muli %iota3A, %parallel_loop3A_130 : vector<16xi32>
        %parallel_loop3A_132 = arith.constant 5 : i32
        %parallel_loop3A_133 = vector.broadcast %parallel_loop3A_132 : i32 to vector<16xi32>
        %parallel_loop3A_134 = arith.addi %parallel_loop3A_131, %parallel_loop3A_133 : vector<16xi32>
        tpu.vector_store_idx %arg7[%parallel_loop3A_66, %parallel_loop3A_134], %parallel_loop3A_90 : memref<256x32xf32, #tpu.memory_space<vmem>>[vector<16xi32>, vector<16xi32>], vector<16xf32>,
        %parallel_loop3A_135 = arith.constant 0 : i32
        %parallel_loop3A_136 = vector.broadcast %parallel_loop3A_135 : i32 to vector<16xi32>
        %parallel_loop3A_137 = arith.muli %iota3A, %parallel_loop3A_136 : vector<16xi32>
        %parallel_loop3A_138 = arith.constant 6 : i32
        %parallel_loop3A_139 = vector.broadcast %parallel_loop3A_138 : i32 to vector<16xi32>
        %parallel_loop3A_140 = arith.addi %parallel_loop3A_137, %parallel_loop3A_139 : vector<16xi32>
        tpu.vector_store_idx %arg7[%parallel_loop3A_66, %parallel_loop3A_140], %parallel_loop3A_94 : memref<256x32xf32, #tpu.memory_space<vmem>>[vector<16xi32>, vector<16xi32>], vector<16xf32>,
        %parallel_loop3A_141 = arith.constant 0 : i32
        %parallel_loop3A_142 = vector.broadcast %parallel_loop3A_141 : i32 to vector<16xi32>
        %parallel_loop3A_143 = arith.muli %iota3A, %parallel_loop3A_142 : vector<16xi32>
        %parallel_loop3A_144 = arith.constant 7 : i32
        %parallel_loop3A_145 = vector.broadcast %parallel_loop3A_144 : i32 to vector<16xi32>
        %parallel_loop3A_146 = arith.addi %parallel_loop3A_143, %parallel_loop3A_145 : vector<16xi32>
        tpu.vector_store_idx %arg7[%parallel_loop3A_66, %parallel_loop3A_146], %parallel_loop3A_98 : memref<256x32xf32, #tpu.memory_space<vmem>>[vector<16xi32>, vector<16xi32>], vector<16xf32>,
        %parallel_loop3A_147 = arith.constant 8 : i32
        %parallel_loop3A_148 = vector.broadcast %parallel_loop3A_147 : i32 to vector<16xi32>
        %parallel_loop3A_149 = arith.addi %parallel_loop3A_62, %parallel_loop3A_148 : vector<16xi32>
        %parallel_loop3A_150 = tpu.vector_load_idx %arg5[%parallel_loop3A_149] : memref<16384xf32, #tpu.memory_space<vmem>>[vector<16xi32>], vector<16xf32>,
        %parallel_loop3A_151 = arith.constant 9 : i32
        %parallel_loop3A_152 = vector.broadcast %parallel_loop3A_151 : i32 to vector<16xi32>
        %parallel_loop3A_153 = arith.addi %parallel_loop3A_62, %parallel_loop3A_152 : vector<16xi32>
        %parallel_loop3A_154 = tpu.vector_load_idx %arg5[%parallel_loop3A_153] : memref<16384xf32, #tpu.memory_space<vmem>>[vector<16xi32>], vector<16xf32>,
        %parallel_loop3A_155 = arith.constant 10 : i32
        %parallel_loop3A_156 = vector.broadcast %parallel_loop3A_155 : i32 to vector<16xi32>
        %parallel_loop3A_157 = arith.addi %parallel_loop3A_62, %parallel_loop3A_156 : vector<16xi32>
        %parallel_loop3A_158 = tpu.vector_load_idx %arg5[%parallel_loop3A_157] : memref<16384xf32, #tpu.memory_space<vmem>>[vector<16xi32>], vector<16xf32>,
        %parallel_loop3A_159 = arith.constant 11 : i32
        %parallel_loop3A_160 = vector.broadcast %parallel_loop3A_159 : i32 to vector<16xi32>
        %parallel_loop3A_161 = arith.addi %parallel_loop3A_62, %parallel_loop3A_160 : vector<16xi32>
        %parallel_loop3A_162 = tpu.vector_load_idx %arg5[%parallel_loop3A_161] : memref<16384xf32, #tpu.memory_space<vmem>>[vector<16xi32>], vector<16xf32>,
        %parallel_loop3A_163 = arith.constant 12 : i32
        %parallel_loop3A_164 = vector.broadcast %parallel_loop3A_163 : i32 to vector<16xi32>
        %parallel_loop3A_165 = arith.addi %parallel_loop3A_62, %parallel_loop3A_164 : vector<16xi32>
        %parallel_loop3A_166 = tpu.vector_load_idx %arg5[%parallel_loop3A_165] : memref<16384xf32, #tpu.memory_space<vmem>>[vector<16xi32>], vector<16xf32>,
        %parallel_loop3A_167 = arith.constant 13 : i32
        %parallel_loop3A_168 = vector.broadcast %parallel_loop3A_167 : i32 to vector<16xi32>
        %parallel_loop3A_169 = arith.addi %parallel_loop3A_62, %parallel_loop3A_168 : vector<16xi32>
        %parallel_loop3A_170 = tpu.vector_load_idx %arg5[%parallel_loop3A_169] : memref<16384xf32, #tpu.memory_space<vmem>>[vector<16xi32>], vector<16xf32>,
        %parallel_loop3A_171 = arith.constant 14 : i32
        %parallel_loop3A_172 = vector.broadcast %parallel_loop3A_171 : i32 to vector<16xi32>
        %parallel_loop3A_173 = arith.addi %parallel_loop3A_62, %parallel_loop3A_172 : vector<16xi32>
        %parallel_loop3A_174 = tpu.vector_load_idx %arg5[%parallel_loop3A_173] : memref<16384xf32, #tpu.memory_space<vmem>>[vector<16xi32>], vector<16xf32>,
        %parallel_loop3A_175 = arith.constant 15 : i32
        %parallel_loop3A_176 = vector.broadcast %parallel_loop3A_175 : i32 to vector<16xi32>
        %parallel_loop3A_177 = arith.addi %parallel_loop3A_62, %parallel_loop3A_176 : vector<16xi32>
        %parallel_loop3A_178 = tpu.vector_load_idx %arg5[%parallel_loop3A_177] : memref<16384xf32, #tpu.memory_space<vmem>>[vector<16xi32>], vector<16xf32>,
        %parallel_loop3A_179 = arith.constant 0 : i32
        %parallel_loop3A_180 = vector.broadcast %parallel_loop3A_179 : i32 to vector<16xi32>
        %parallel_loop3A_181 = arith.muli %iota3A, %parallel_loop3A_180 : vector<16xi32>
        %parallel_loop3A_182 = arith.constant 8 : i32
        %parallel_loop3A_183 = vector.broadcast %parallel_loop3A_182 : i32 to vector<16xi32>
        %parallel_loop3A_184 = arith.addi %parallel_loop3A_181, %parallel_loop3A_183 : vector<16xi32>
        tpu.vector_store_idx %arg7[%parallel_loop3A_66, %parallel_loop3A_184], %parallel_loop3A_150 : memref<256x32xf32, #tpu.memory_space<vmem>>[vector<16xi32>, vector<16xi32>], vector<16xf32>,
        %parallel_loop3A_185 = arith.constant 0 : i32
        %parallel_loop3A_186 = vector.broadcast %parallel_loop3A_185 : i32 to vector<16xi32>
        %parallel_loop3A_187 = arith.muli %iota3A, %parallel_loop3A_186 : vector<16xi32>
        %parallel_loop3A_188 = arith.constant 9 : i32
        %parallel_loop3A_189 = vector.broadcast %parallel_loop3A_188 : i32 to vector<16xi32>
        %parallel_loop3A_190 = arith.addi %parallel_loop3A_187, %parallel_loop3A_189 : vector<16xi32>
        tpu.vector_store_idx %arg7[%parallel_loop3A_66, %parallel_loop3A_190], %parallel_loop3A_154 : memref<256x32xf32, #tpu.memory_space<vmem>>[vector<16xi32>, vector<16xi32>], vector<16xf32>,
        %parallel_loop3A_191 = arith.constant 0 : i32
        %parallel_loop3A_192 = vector.broadcast %parallel_loop3A_191 : i32 to vector<16xi32>
        %parallel_loop3A_193 = arith.muli %iota3A, %parallel_loop3A_192 : vector<16xi32>
        %parallel_loop3A_194 = arith.constant 10 : i32
        %parallel_loop3A_195 = vector.broadcast %parallel_loop3A_194 : i32 to vector<16xi32>
        %parallel_loop3A_196 = arith.addi %parallel_loop3A_193, %parallel_loop3A_195 : vector<16xi32>
        tpu.vector_store_idx %arg7[%parallel_loop3A_66, %parallel_loop3A_196], %parallel_loop3A_158 : memref<256x32xf32, #tpu.memory_space<vmem>>[vector<16xi32>, vector<16xi32>], vector<16xf32>,
        %parallel_loop3A_197 = arith.constant 0 : i32
        %parallel_loop3A_198 = vector.broadcast %parallel_loop3A_197 : i32 to vector<16xi32>
        %parallel_loop3A_199 = arith.muli %iota3A, %parallel_loop3A_198 : vector<16xi32>
        %parallel_loop3A_200 = arith.constant 11 : i32
        %parallel_loop3A_201 = vector.broadcast %parallel_loop3A_200 : i32 to vector<16xi32>
        %parallel_loop3A_202 = arith.addi %parallel_loop3A_199, %parallel_loop3A_201 : vector<16xi32>
        tpu.vector_store_idx %arg7[%parallel_loop3A_66, %parallel_loop3A_202], %parallel_loop3A_162 : memref<256x32xf32, #tpu.memory_space<vmem>>[vector<16xi32>, vector<16xi32>], vector<16xf32>,
        %parallel_loop3A_203 = arith.constant 0 : i32
        %parallel_loop3A_204 = vector.broadcast %parallel_loop3A_203 : i32 to vector<16xi32>
        %parallel_loop3A_205 = arith.muli %iota3A, %parallel_loop3A_204 : vector<16xi32>
        %parallel_loop3A_206 = arith.constant 12 : i32
        %parallel_loop3A_207 = vector.broadcast %parallel_loop3A_206 : i32 to vector<16xi32>
        %parallel_loop3A_208 = arith.addi %parallel_loop3A_205, %parallel_loop3A_207 : vector<16xi32>
        tpu.vector_store_idx %arg7[%parallel_loop3A_66, %parallel_loop3A_208], %parallel_loop3A_166 : memref<256x32xf32, #tpu.memory_space<vmem>>[vector<16xi32>, vector<16xi32>], vector<16xf32>,
        %parallel_loop3A_209 = arith.constant 0 : i32
        %parallel_loop3A_210 = vector.broadcast %parallel_loop3A_209 : i32 to vector<16xi32>
        %parallel_loop3A_211 = arith.muli %iota3A, %parallel_loop3A_210 : vector<16xi32>
        %parallel_loop3A_212 = arith.constant 13 : i32
        %parallel_loop3A_213 = vector.broadcast %parallel_loop3A_212 : i32 to vector<16xi32>
        %parallel_loop3A_214 = arith.addi %parallel_loop3A_211, %parallel_loop3A_213 : vector<16xi32>
        tpu.vector_store_idx %arg7[%parallel_loop3A_66, %parallel_loop3A_214], %parallel_loop3A_170 : memref<256x32xf32, #tpu.memory_space<vmem>>[vector<16xi32>, vector<16xi32>], vector<16xf32>,
        %parallel_loop3A_215 = arith.constant 0 : i32
        %parallel_loop3A_216 = vector.broadcast %parallel_loop3A_215 : i32 to vector<16xi32>
        %parallel_loop3A_217 = arith.muli %iota3A, %parallel_loop3A_216 : vector<16xi32>
        %parallel_loop3A_218 = arith.constant 14 : i32
        %parallel_loop3A_219 = vector.broadcast %parallel_loop3A_218 : i32 to vector<16xi32>
        %parallel_loop3A_220 = arith.addi %parallel_loop3A_217, %parallel_loop3A_219 : vector<16xi32>
        tpu.vector_store_idx %arg7[%parallel_loop3A_66, %parallel_loop3A_220], %parallel_loop3A_174 : memref<256x32xf32, #tpu.memory_space<vmem>>[vector<16xi32>, vector<16xi32>], vector<16xf32>,
        %parallel_loop3A_221 = arith.constant 0 : i32
        %parallel_loop3A_222 = vector.broadcast %parallel_loop3A_221 : i32 to vector<16xi32>
        %parallel_loop3A_223 = arith.muli %iota3A, %parallel_loop3A_222 : vector<16xi32>
        %parallel_loop3A_224 = arith.constant 15 : i32
        %parallel_loop3A_225 = vector.broadcast %parallel_loop3A_224 : i32 to vector<16xi32>
        %parallel_loop3A_226 = arith.addi %parallel_loop3A_223, %parallel_loop3A_225 : vector<16xi32>
        tpu.vector_store_idx %arg7[%parallel_loop3A_66, %parallel_loop3A_226], %parallel_loop3A_178 : memref<256x32xf32, #tpu.memory_space<vmem>>[vector<16xi32>, vector<16xi32>], vector<16xf32>,
        %parallel_loop3A_227 = arith.constant 16 : i32
        %parallel_loop3A_228 = vector.broadcast %parallel_loop3A_227 : i32 to vector<16xi32>
        %parallel_loop3A_229 = arith.addi %parallel_loop3A_62, %parallel_loop3A_228 : vector<16xi32>
        %parallel_loop3A_230 = tpu.vector_load_idx %arg5[%parallel_loop3A_229] : memref<16384xf32, #tpu.memory_space<vmem>>[vector<16xi32>], vector<16xf32>,
        %parallel_loop3A_231 = arith.constant 17 : i32
        %parallel_loop3A_232 = vector.broadcast %parallel_loop3A_231 : i32 to vector<16xi32>
        %parallel_loop3A_233 = arith.addi %parallel_loop3A_62, %parallel_loop3A_232 : vector<16xi32>
        %parallel_loop3A_234 = tpu.vector_load_idx %arg5[%parallel_loop3A_233] : memref<16384xf32, #tpu.memory_space<vmem>>[vector<16xi32>], vector<16xf32>,
        %parallel_loop3A_235 = arith.constant 18 : i32
        %parallel_loop3A_236 = vector.broadcast %parallel_loop3A_235 : i32 to vector<16xi32>
        %parallel_loop3A_237 = arith.addi %parallel_loop3A_62, %parallel_loop3A_236 : vector<16xi32>
        %parallel_loop3A_238 = tpu.vector_load_idx %arg5[%parallel_loop3A_237] : memref<16384xf32, #tpu.memory_space<vmem>>[vector<16xi32>], vector<16xf32>,
        %parallel_loop3A_239 = arith.constant 19 : i32
        %parallel_loop3A_240 = vector.broadcast %parallel_loop3A_239 : i32 to vector<16xi32>
        %parallel_loop3A_241 = arith.addi %parallel_loop3A_62, %parallel_loop3A_240 : vector<16xi32>
        %parallel_loop3A_242 = tpu.vector_load_idx %arg5[%parallel_loop3A_241] : memref<16384xf32, #tpu.memory_space<vmem>>[vector<16xi32>], vector<16xf32>,
        %parallel_loop3A_243 = arith.constant 20 : i32
        %parallel_loop3A_244 = vector.broadcast %parallel_loop3A_243 : i32 to vector<16xi32>
        %parallel_loop3A_245 = arith.addi %parallel_loop3A_62, %parallel_loop3A_244 : vector<16xi32>
        %parallel_loop3A_246 = tpu.vector_load_idx %arg5[%parallel_loop3A_245] : memref<16384xf32, #tpu.memory_space<vmem>>[vector<16xi32>], vector<16xf32>,
        %parallel_loop3A_247 = arith.constant 21 : i32
        %parallel_loop3A_248 = vector.broadcast %parallel_loop3A_247 : i32 to vector<16xi32>
        %parallel_loop3A_249 = arith.addi %parallel_loop3A_62, %parallel_loop3A_248 : vector<16xi32>
        %parallel_loop3A_250 = tpu.vector_load_idx %arg5[%parallel_loop3A_249] : memref<16384xf32, #tpu.memory_space<vmem>>[vector<16xi32>], vector<16xf32>,
        %parallel_loop3A_251 = arith.constant 22 : i32
        %parallel_loop3A_252 = vector.broadcast %parallel_loop3A_251 : i32 to vector<16xi32>
        %parallel_loop3A_253 = arith.addi %parallel_loop3A_62, %parallel_loop3A_252 : vector<16xi32>
        %parallel_loop3A_254 = tpu.vector_load_idx %arg5[%parallel_loop3A_253] : memref<16384xf32, #tpu.memory_space<vmem>>[vector<16xi32>], vector<16xf32>,
        %parallel_loop3A_255 = arith.constant 23 : i32
        %parallel_loop3A_256 = vector.broadcast %parallel_loop3A_255 : i32 to vector<16xi32>
        %parallel_loop3A_257 = arith.addi %parallel_loop3A_62, %parallel_loop3A_256 : vector<16xi32>
        %parallel_loop3A_258 = tpu.vector_load_idx %arg5[%parallel_loop3A_257] : memref<16384xf32, #tpu.memory_space<vmem>>[vector<16xi32>], vector<16xf32>,
        %parallel_loop3A_259 = arith.constant 0 : i32
        %parallel_loop3A_260 = vector.broadcast %parallel_loop3A_259 : i32 to vector<16xi32>
        %parallel_loop3A_261 = arith.muli %iota3A, %parallel_loop3A_260 : vector<16xi32>
        %parallel_loop3A_262 = arith.constant 16 : i32
        %parallel_loop3A_263 = vector.broadcast %parallel_loop3A_262 : i32 to vector<16xi32>
        %parallel_loop3A_264 = arith.addi %parallel_loop3A_261, %parallel_loop3A_263 : vector<16xi32>
        tpu.vector_store_idx %arg7[%parallel_loop3A_66, %parallel_loop3A_264], %parallel_loop3A_230 : memref<256x32xf32, #tpu.memory_space<vmem>>[vector<16xi32>, vector<16xi32>], vector<16xf32>,
        %parallel_loop3A_265 = arith.constant 0 : i32
        %parallel_loop3A_266 = vector.broadcast %parallel_loop3A_265 : i32 to vector<16xi32>
        %parallel_loop3A_267 = arith.muli %iota3A, %parallel_loop3A_266 : vector<16xi32>
        %parallel_loop3A_268 = arith.constant 17 : i32
        %parallel_loop3A_269 = vector.broadcast %parallel_loop3A_268 : i32 to vector<16xi32>
        %parallel_loop3A_270 = arith.addi %parallel_loop3A_267, %parallel_loop3A_269 : vector<16xi32>
        tpu.vector_store_idx %arg7[%parallel_loop3A_66, %parallel_loop3A_270], %parallel_loop3A_234 : memref<256x32xf32, #tpu.memory_space<vmem>>[vector<16xi32>, vector<16xi32>], vector<16xf32>,
        %parallel_loop3A_271 = arith.constant 0 : i32
        %parallel_loop3A_272 = vector.broadcast %parallel_loop3A_271 : i32 to vector<16xi32>
        %parallel_loop3A_273 = arith.muli %iota3A, %parallel_loop3A_272 : vector<16xi32>
        %parallel_loop3A_274 = arith.constant 18 : i32
        %parallel_loop3A_275 = vector.broadcast %parallel_loop3A_274 : i32 to vector<16xi32>
        %parallel_loop3A_276 = arith.addi %parallel_loop3A_273, %parallel_loop3A_275 : vector<16xi32>
        tpu.vector_store_idx %arg7[%parallel_loop3A_66, %parallel_loop3A_276], %parallel_loop3A_238 : memref<256x32xf32, #tpu.memory_space<vmem>>[vector<16xi32>, vector<16xi32>], vector<16xf32>,
        %parallel_loop3A_277 = arith.constant 0 : i32
        %parallel_loop3A_278 = vector.broadcast %parallel_loop3A_277 : i32 to vector<16xi32>
        %parallel_loop3A_279 = arith.muli %iota3A, %parallel_loop3A_278 : vector<16xi32>
        %parallel_loop3A_280 = arith.constant 19 : i32
        %parallel_loop3A_281 = vector.broadcast %parallel_loop3A_280 : i32 to vector<16xi32>
        %parallel_loop3A_282 = arith.addi %parallel_loop3A_279, %parallel_loop3A_281 : vector<16xi32>
        tpu.vector_store_idx %arg7[%parallel_loop3A_66, %parallel_loop3A_282], %parallel_loop3A_242 : memref<256x32xf32, #tpu.memory_space<vmem>>[vector<16xi32>, vector<16xi32>], vector<16xf32>,
        %parallel_loop3A_283 = arith.constant 0 : i32
        %parallel_loop3A_284 = vector.broadcast %parallel_loop3A_283 : i32 to vector<16xi32>
        %parallel_loop3A_285 = arith.muli %iota3A, %parallel_loop3A_284 : vector<16xi32>
        %parallel_loop3A_286 = arith.constant 20 : i32
        %parallel_loop3A_287 = vector.broadcast %parallel_loop3A_286 : i32 to vector<16xi32>
        %parallel_loop3A_288 = arith.addi %parallel_loop3A_285, %parallel_loop3A_287 : vector<16xi32>
        tpu.vector_store_idx %arg7[%parallel_loop3A_66, %parallel_loop3A_288], %parallel_loop3A_246 : memref<256x32xf32, #tpu.memory_space<vmem>>[vector<16xi32>, vector<16xi32>], vector<16xf32>,
        %parallel_loop3A_289 = arith.constant 0 : i32
        %parallel_loop3A_290 = vector.broadcast %parallel_loop3A_289 : i32 to vector<16xi32>
        %parallel_loop3A_291 = arith.muli %iota3A, %parallel_loop3A_290 : vector<16xi32>
        %parallel_loop3A_292 = arith.constant 21 : i32
        %parallel_loop3A_293 = vector.broadcast %parallel_loop3A_292 : i32 to vector<16xi32>
        %parallel_loop3A_294 = arith.addi %parallel_loop3A_291, %parallel_loop3A_293 : vector<16xi32>
        tpu.vector_store_idx %arg7[%parallel_loop3A_66, %parallel_loop3A_294], %parallel_loop3A_250 : memref<256x32xf32, #tpu.memory_space<vmem>>[vector<16xi32>, vector<16xi32>], vector<16xf32>,
        %parallel_loop3A_295 = arith.constant 0 : i32
        %parallel_loop3A_296 = vector.broadcast %parallel_loop3A_295 : i32 to vector<16xi32>
        %parallel_loop3A_297 = arith.muli %iota3A, %parallel_loop3A_296 : vector<16xi32>
        %parallel_loop3A_298 = arith.constant 22 : i32
        %parallel_loop3A_299 = vector.broadcast %parallel_loop3A_298 : i32 to vector<16xi32>
        %parallel_loop3A_300 = arith.addi %parallel_loop3A_297, %parallel_loop3A_299 : vector<16xi32>
        tpu.vector_store_idx %arg7[%parallel_loop3A_66, %parallel_loop3A_300], %parallel_loop3A_254 : memref<256x32xf32, #tpu.memory_space<vmem>>[vector<16xi32>, vector<16xi32>], vector<16xf32>,
        %parallel_loop3A_301 = arith.constant 0 : i32
        %parallel_loop3A_302 = vector.broadcast %parallel_loop3A_301 : i32 to vector<16xi32>
        %parallel_loop3A_303 = arith.muli %iota3A, %parallel_loop3A_302 : vector<16xi32>
        %parallel_loop3A_304 = arith.constant 23 : i32
        %parallel_loop3A_305 = vector.broadcast %parallel_loop3A_304 : i32 to vector<16xi32>
        %parallel_loop3A_306 = arith.addi %parallel_loop3A_303, %parallel_loop3A_305 : vector<16xi32>
        tpu.vector_store_idx %arg7[%parallel_loop3A_66, %parallel_loop3A_306], %parallel_loop3A_258 : memref<256x32xf32, #tpu.memory_space<vmem>>[vector<16xi32>, vector<16xi32>], vector<16xf32>,
        %parallel_loop3A_307 = arith.constant 24 : i32
        %parallel_loop3A_308 = vector.broadcast %parallel_loop3A_307 : i32 to vector<16xi32>
        %parallel_loop3A_309 = arith.addi %parallel_loop3A_62, %parallel_loop3A_308 : vector<16xi32>
        %parallel_loop3A_310 = tpu.vector_load_idx %arg5[%parallel_loop3A_309] : memref<16384xf32, #tpu.memory_space<vmem>>[vector<16xi32>], vector<16xf32>,
        %parallel_loop3A_311 = arith.constant 25 : i32
        %parallel_loop3A_312 = vector.broadcast %parallel_loop3A_311 : i32 to vector<16xi32>
        %parallel_loop3A_313 = arith.addi %parallel_loop3A_62, %parallel_loop3A_312 : vector<16xi32>
        %parallel_loop3A_314 = tpu.vector_load_idx %arg5[%parallel_loop3A_313] : memref<16384xf32, #tpu.memory_space<vmem>>[vector<16xi32>], vector<16xf32>,
        %parallel_loop3A_315 = arith.constant 26 : i32
        %parallel_loop3A_316 = vector.broadcast %parallel_loop3A_315 : i32 to vector<16xi32>
        %parallel_loop3A_317 = arith.addi %parallel_loop3A_62, %parallel_loop3A_316 : vector<16xi32>
        %parallel_loop3A_318 = tpu.vector_load_idx %arg5[%parallel_loop3A_317] : memref<16384xf32, #tpu.memory_space<vmem>>[vector<16xi32>], vector<16xf32>,
        %parallel_loop3A_319 = arith.constant 27 : i32
        %parallel_loop3A_320 = vector.broadcast %parallel_loop3A_319 : i32 to vector<16xi32>
        %parallel_loop3A_321 = arith.addi %parallel_loop3A_62, %parallel_loop3A_320 : vector<16xi32>
        %parallel_loop3A_322 = tpu.vector_load_idx %arg5[%parallel_loop3A_321] : memref<16384xf32, #tpu.memory_space<vmem>>[vector<16xi32>], vector<16xf32>,
        %parallel_loop3A_323 = arith.constant 28 : i32
        %parallel_loop3A_324 = vector.broadcast %parallel_loop3A_323 : i32 to vector<16xi32>
        %parallel_loop3A_325 = arith.addi %parallel_loop3A_62, %parallel_loop3A_324 : vector<16xi32>
        %parallel_loop3A_326 = tpu.vector_load_idx %arg5[%parallel_loop3A_325] : memref<16384xf32, #tpu.memory_space<vmem>>[vector<16xi32>], vector<16xf32>,
        %parallel_loop3A_327 = arith.constant 29 : i32
        %parallel_loop3A_328 = vector.broadcast %parallel_loop3A_327 : i32 to vector<16xi32>
        %parallel_loop3A_329 = arith.addi %parallel_loop3A_62, %parallel_loop3A_328 : vector<16xi32>
        %parallel_loop3A_330 = tpu.vector_load_idx %arg5[%parallel_loop3A_329] : memref<16384xf32, #tpu.memory_space<vmem>>[vector<16xi32>], vector<16xf32>,
        %parallel_loop3A_331 = arith.constant 30 : i32
        %parallel_loop3A_332 = vector.broadcast %parallel_loop3A_331 : i32 to vector<16xi32>
        %parallel_loop3A_333 = arith.addi %parallel_loop3A_62, %parallel_loop3A_332 : vector<16xi32>
        %parallel_loop3A_334 = tpu.vector_load_idx %arg5[%parallel_loop3A_333] : memref<16384xf32, #tpu.memory_space<vmem>>[vector<16xi32>], vector<16xf32>,
        %parallel_loop3A_335 = arith.constant 31 : i32
        %parallel_loop3A_336 = vector.broadcast %parallel_loop3A_335 : i32 to vector<16xi32>
        %parallel_loop3A_337 = arith.addi %parallel_loop3A_62, %parallel_loop3A_336 : vector<16xi32>
        %parallel_loop3A_338 = tpu.vector_load_idx %arg5[%parallel_loop3A_337] : memref<16384xf32, #tpu.memory_space<vmem>>[vector<16xi32>], vector<16xf32>,
        %parallel_loop3A_339 = arith.constant 0 : i32
        %parallel_loop3A_340 = vector.broadcast %parallel_loop3A_339 : i32 to vector<16xi32>
        %parallel_loop3A_341 = arith.muli %iota3A, %parallel_loop3A_340 : vector<16xi32>
        %parallel_loop3A_342 = arith.constant 24 : i32
        %parallel_loop3A_343 = vector.broadcast %parallel_loop3A_342 : i32 to vector<16xi32>
        %parallel_loop3A_344 = arith.addi %parallel_loop3A_341, %parallel_loop3A_343 : vector<16xi32>
        tpu.vector_store_idx %arg7[%parallel_loop3A_66, %parallel_loop3A_344], %parallel_loop3A_310 : memref<256x32xf32, #tpu.memory_space<vmem>>[vector<16xi32>, vector<16xi32>], vector<16xf32>,
        %parallel_loop3A_345 = arith.constant 0 : i32
        %parallel_loop3A_346 = vector.broadcast %parallel_loop3A_345 : i32 to vector<16xi32>
        %parallel_loop3A_347 = arith.muli %iota3A, %parallel_loop3A_346 : vector<16xi32>
        %parallel_loop3A_348 = arith.constant 25 : i32
        %parallel_loop3A_349 = vector.broadcast %parallel_loop3A_348 : i32 to vector<16xi32>
        %parallel_loop3A_350 = arith.addi %parallel_loop3A_347, %parallel_loop3A_349 : vector<16xi32>
        tpu.vector_store_idx %arg7[%parallel_loop3A_66, %parallel_loop3A_350], %parallel_loop3A_314 : memref<256x32xf32, #tpu.memory_space<vmem>>[vector<16xi32>, vector<16xi32>], vector<16xf32>,
        %parallel_loop3A_351 = arith.constant 0 : i32
        %parallel_loop3A_352 = vector.broadcast %parallel_loop3A_351 : i32 to vector<16xi32>
        %parallel_loop3A_353 = arith.muli %iota3A, %parallel_loop3A_352 : vector<16xi32>
        %parallel_loop3A_354 = arith.constant 26 : i32
        %parallel_loop3A_355 = vector.broadcast %parallel_loop3A_354 : i32 to vector<16xi32>
        %parallel_loop3A_356 = arith.addi %parallel_loop3A_353, %parallel_loop3A_355 : vector<16xi32>
        tpu.vector_store_idx %arg7[%parallel_loop3A_66, %parallel_loop3A_356], %parallel_loop3A_318 : memref<256x32xf32, #tpu.memory_space<vmem>>[vector<16xi32>, vector<16xi32>], vector<16xf32>,
        %parallel_loop3A_357 = arith.constant 0 : i32
        %parallel_loop3A_358 = vector.broadcast %parallel_loop3A_357 : i32 to vector<16xi32>
        %parallel_loop3A_359 = arith.muli %iota3A, %parallel_loop3A_358 : vector<16xi32>
        %parallel_loop3A_360 = arith.constant 27 : i32
        %parallel_loop3A_361 = vector.broadcast %parallel_loop3A_360 : i32 to vector<16xi32>
        %parallel_loop3A_362 = arith.addi %parallel_loop3A_359, %parallel_loop3A_361 : vector<16xi32>
        tpu.vector_store_idx %arg7[%parallel_loop3A_66, %parallel_loop3A_362], %parallel_loop3A_322 : memref<256x32xf32, #tpu.memory_space<vmem>>[vector<16xi32>, vector<16xi32>], vector<16xf32>,
        %parallel_loop3A_363 = arith.constant 0 : i32
        %parallel_loop3A_364 = vector.broadcast %parallel_loop3A_363 : i32 to vector<16xi32>
        %parallel_loop3A_365 = arith.muli %iota3A, %parallel_loop3A_364 : vector<16xi32>
        %parallel_loop3A_366 = arith.constant 28 : i32
        %parallel_loop3A_367 = vector.broadcast %parallel_loop3A_366 : i32 to vector<16xi32>
        %parallel_loop3A_368 = arith.addi %parallel_loop3A_365, %parallel_loop3A_367 : vector<16xi32>
        tpu.vector_store_idx %arg7[%parallel_loop3A_66, %parallel_loop3A_368], %parallel_loop3A_326 : memref<256x32xf32, #tpu.memory_space<vmem>>[vector<16xi32>, vector<16xi32>], vector<16xf32>,
        %parallel_loop3A_369 = arith.constant 0 : i32
        %parallel_loop3A_370 = vector.broadcast %parallel_loop3A_369 : i32 to vector<16xi32>
        %parallel_loop3A_371 = arith.muli %iota3A, %parallel_loop3A_370 : vector<16xi32>
        %parallel_loop3A_372 = arith.constant 29 : i32
        %parallel_loop3A_373 = vector.broadcast %parallel_loop3A_372 : i32 to vector<16xi32>
        %parallel_loop3A_374 = arith.addi %parallel_loop3A_371, %parallel_loop3A_373 : vector<16xi32>
        tpu.vector_store_idx %arg7[%parallel_loop3A_66, %parallel_loop3A_374], %parallel_loop3A_330 : memref<256x32xf32, #tpu.memory_space<vmem>>[vector<16xi32>, vector<16xi32>], vector<16xf32>,
        %parallel_loop3A_375 = arith.constant 0 : i32
        %parallel_loop3A_376 = vector.broadcast %parallel_loop3A_375 : i32 to vector<16xi32>
        %parallel_loop3A_377 = arith.muli %iota3A, %parallel_loop3A_376 : vector<16xi32>
        %parallel_loop3A_378 = arith.constant 30 : i32
        %parallel_loop3A_379 = vector.broadcast %parallel_loop3A_378 : i32 to vector<16xi32>
        %parallel_loop3A_380 = arith.addi %parallel_loop3A_377, %parallel_loop3A_379 : vector<16xi32>
        tpu.vector_store_idx %arg7[%parallel_loop3A_66, %parallel_loop3A_380], %parallel_loop3A_334 : memref<256x32xf32, #tpu.memory_space<vmem>>[vector<16xi32>, vector<16xi32>], vector<16xf32>,
        %parallel_loop3A_381 = arith.constant 0 : i32
        %parallel_loop3A_382 = vector.broadcast %parallel_loop3A_381 : i32 to vector<16xi32>
        %parallel_loop3A_383 = arith.muli %iota3A, %parallel_loop3A_382 : vector<16xi32>
        %parallel_loop3A_384 = arith.constant 31 : i32
        %parallel_loop3A_385 = vector.broadcast %parallel_loop3A_384 : i32 to vector<16xi32>
        %parallel_loop3A_386 = arith.addi %parallel_loop3A_383, %parallel_loop3A_385 : vector<16xi32>
        tpu.vector_store_idx %arg7[%parallel_loop3A_66, %parallel_loop3A_386], %parallel_loop3A_338 : memref<256x32xf32, #tpu.memory_space<vmem>>[vector<16xi32>, vector<16xi32>], vector<16xf32>,
      } {sc.loop_unroll_factor = 4 : i64, sc.parallel_access}
      %mul3A_27 = arith.constant 256 : i32
      %mul3A_28 = arith.muli %add3A_19, %mul3A_27 : i32
      %add3A_29 = arith.addi %mul3A_2, %mul3A_28 : i32
      %dma_start3A = arith.constant 0 : i32
      %dma_start3A_30 = tpu.memref_slice %arg4[%add3A_29, %dma_start3A] : memref<262144x32xf32, #tpu.memory_space<hbm>> -> memref<256x32xf32, #tpu.memory_space<hbm>>
      %dma_start3A_31 = arith.constant 0 : i32
      %dma_start3A_32 = tpu.memref_slice %arg4[%add3A_29, %dma_start3A_31] : memref<262144x32xf32, #tpu.memory_space<hbm>> -> memref<256x32xf32, #tpu.memory_space<hbm>>
      tpu.enqueue_dma source(%arg7 : memref<256x32xf32, #tpu.memory_space<vmem>>) target(%dma_start3A_32 : memref<256x32xf32, #tpu.memory_space<hbm>>) target_semaphore(%arg9 : memref<!tpu.dma_semaphore, #tpu.memory_space<semaphore_mem>>)
      %mul3A_33 = arith.constant 2 : i32
      %mul3A_34 = arith.muli %mul3A_33, %scan3A_15 : i32
      %add3A_35 = arith.constant 1 : i32
      %add3A_36 = arith.addi %mul3A_34, %add3A_35 : i32
      %mul3A_37 = arith.constant 256 : i32
      %mul3A_38 = arith.muli %add3A_36, %mul3A_37 : i32
      %add3A_39 = arith.addi %mul3A_2, %mul3A_38 : i32
      "tpu.region"() ({
        %run_scoped3A = tpu.sem_alloc : memref<!tpu.dma_semaphore, #tpu.memory_space<semaphore_mem>>
        %dma_start3A_55 = tpu.memref_slice %arg3[%add3A_39] : memref<262144xi32, #tpu.memory_space<hbm>> -> memref<256xi32, #tpu.memory_space<hbm>>
        %dma_start3A_56 = tpu.memref_slice %arg3[%add3A_39] : memref<262144xi32, #tpu.memory_space<hbm>> -> memref<256xi32, #tpu.memory_space<hbm>>
        tpu.enqueue_dma source(%dma_start3A_56 : memref<256xi32, #tpu.memory_space<hbm>>) target(%arg6 : memref<256xi32, #tpu.memory_space<vmem>>) target_semaphore(%run_scoped3A : memref<!tpu.dma_semaphore, #tpu.memory_space<semaphore_mem>>)
        %dma_wait3A_57 = tpu.memref_slice %arg3[%add3A_39] : memref<262144xi32, #tpu.memory_space<hbm>> -> memref<256xi32, #tpu.memory_space<hbm>>
        %dma_wait3A_58 = tpu.memref_slice %arg3[%add3A_39] : memref<262144xi32, #tpu.memory_space<hbm>> -> memref<256xi32, #tpu.memory_space<hbm>>
        tpu.wait_dma2 semaphore(%run_scoped3A : memref<!tpu.dma_semaphore, #tpu.memory_space<semaphore_mem>>) src(%dma_wait3A_58 : memref<256xi32, #tpu.memory_space<hbm>>) dst(%arg6 : memref<256xi32, #tpu.memory_space<vmem>>)
        tpu.yield
      }) : () -> ()
      %ge3A_40 = arith.constant 2 : i32
      %ge3A_41 = arith.cmpi sge, %add3A_36, %ge3A_40 : i32
      %convert_element_type3A_42 = arith.extui %ge3A_41 : i1 to i32
      %cond3A_43 = arith.constant 0 : i32
      %cond3A_44 = arith.cmpi ne, %convert_element_type3A_42, %cond3A_43 : i32
      scf.if %cond3A_44 {
        %dma_wait3A_55 = arith.constant 0 : i32
        %dma_wait3A_56 = tpu.memref_slice %arg4[%mul3A_2, %dma_wait3A_55] : memref<262144x32xf32, #tpu.memory_space<hbm>> -> memref<256x32xf32, #tpu.memory_space<hbm>>
        %dma_wait3A_57 = arith.constant 0 : i32
        %dma_wait3A_58 = tpu.memref_slice %arg4[%mul3A_2, %dma_wait3A_57] : memref<262144x32xf32, #tpu.memory_space<hbm>> -> memref<256x32xf32, #tpu.memory_space<hbm>>
        tpu.wait_dma2 semaphore(%arg10 : memref<!tpu.dma_semaphore, #tpu.memory_space<semaphore_mem>>) src(%arg8 : memref<256x32xf32, #tpu.memory_space<vmem>>) dst(%dma_wait3A_58 : memref<256x32xf32, #tpu.memory_space<hbm>>)
      } else {
      }
      %parallel_loop3A_45 = arith.constant 0 : i32
      %parallel_loop3A_46 = arith.constant 16 : i32
      %parallel_loop3A_47 = arith.constant 1 : i32
      scf.for %parallel_loop3A_55 = %parallel_loop3A_45 to %parallel_loop3A_46 step %parallel_loop3A_47  : i32 {
        %parallel_loop3A_56 = arith.constant 16 : i32
        %parallel_loop3A_57 = arith.muli %parallel_loop3A_55, %parallel_loop3A_56 : i32
        %parallel_loop3A_58 = arith.index_cast %parallel_loop3A_57 : i32 to index
        %parallel_loop3A_59 = tpu.vector_load %arg6[%parallel_loop3A_58] {strides = array<i32>} : memref<256xi32, #tpu.memory_space<vmem>>, vector<16xi32>,
        %parallel_loop3A_60 = arith.constant 32 : i32
        %parallel_loop3A_61 = vector.broadcast %parallel_loop3A_60 : i32 to vector<16xi32>
        %parallel_loop3A_62 = arith.muli %parallel_loop3A_59, %parallel_loop3A_61 : vector<16xi32>
        %parallel_loop3A_63 = arith.constant 16 : i32
        %parallel_loop3A_64 = arith.muli %parallel_loop3A_55, %parallel_loop3A_63 : i32
        %parallel_loop3A_65 = vector.broadcast %parallel_loop3A_64 : i32 to vector<16xi32>
        %parallel_loop3A_66 = arith.addi %iota3A, %parallel_loop3A_65 : vector<16xi32>
        %parallel_loop3A_67 = arith.constant 0 : i32
        %parallel_loop3A_68 = vector.broadcast %parallel_loop3A_67 : i32 to vector<16xi32>
        %parallel_loop3A_69 = arith.addi %parallel_loop3A_62, %parallel_loop3A_68 : vector<16xi32>
        %parallel_loop3A_70 = tpu.vector_load_idx %arg5[%parallel_loop3A_69] : memref<16384xf32, #tpu.memory_space<vmem>>[vector<16xi32>], vector<16xf32>,
        %parallel_loop3A_71 = arith.constant 1 : i32
        %parallel_loop3A_72 = vector.broadcast %parallel_loop3A_71 : i32 to vector<16xi32>
        %parallel_loop3A_73 = arith.addi %parallel_loop3A_62, %parallel_loop3A_72 : vector<16xi32>
        %parallel_loop3A_74 = tpu.vector_load_idx %arg5[%parallel_loop3A_73] : memref<16384xf32, #tpu.memory_space<vmem>>[vector<16xi32>], vector<16xf32>,
        %parallel_loop3A_75 = arith.constant 2 : i32
        %parallel_loop3A_76 = vector.broadcast %parallel_loop3A_75 : i32 to vector<16xi32>
        %parallel_loop3A_77 = arith.addi %parallel_loop3A_62, %parallel_loop3A_76 : vector<16xi32>
        %parallel_loop3A_78 = tpu.vector_load_idx %arg5[%parallel_loop3A_77] : memref<16384xf32, #tpu.memory_space<vmem>>[vector<16xi32>], vector<16xf32>,
        %parallel_loop3A_79 = arith.constant 3 : i32
        %parallel_loop3A_80 = vector.broadcast %parallel_loop3A_79 : i32 to vector<16xi32>
        %parallel_loop3A_81 = arith.addi %parallel_loop3A_62, %parallel_loop3A_80 : vector<16xi32>
        %parallel_loop3A_82 = tpu.vector_load_idx %arg5[%parallel_loop3A_81] : memref<16384xf32, #tpu.memory_space<vmem>>[vector<16xi32>], vector<16xf32>,
        %parallel_loop3A_83 = arith.constant 4 : i32
        %parallel_loop3A_84 = vector.broadcast %parallel_loop3A_83 : i32 to vector<16xi32>
        %parallel_loop3A_85 = arith.addi %parallel_loop3A_62, %parallel_loop3A_84 : vector<16xi32>
        %parallel_loop3A_86 = tpu.vector_load_idx %arg5[%parallel_loop3A_85] : memref<16384xf32, #tpu.memory_space<vmem>>[vector<16xi32>], vector<16xf32>,
        %parallel_loop3A_87 = arith.constant 5 : i32
        %parallel_loop3A_88 = vector.broadcast %parallel_loop3A_87 : i32 to vector<16xi32>
        %parallel_loop3A_89 = arith.addi %parallel_loop3A_62, %parallel_loop3A_88 : vector<16xi32>
        %parallel_loop3A_90 = tpu.vector_load_idx %arg5[%parallel_loop3A_89] : memref<16384xf32, #tpu.memory_space<vmem>>[vector<16xi32>], vector<16xf32>,
        %parallel_loop3A_91 = arith.constant 6 : i32
        %parallel_loop3A_92 = vector.broadcast %parallel_loop3A_91 : i32 to vector<16xi32>
        %parallel_loop3A_93 = arith.addi %parallel_loop3A_62, %parallel_loop3A_92 : vector<16xi32>
        %parallel_loop3A_94 = tpu.vector_load_idx %arg5[%parallel_loop3A_93] : memref<16384xf32, #tpu.memory_space<vmem>>[vector<16xi32>], vector<16xf32>,
        %parallel_loop3A_95 = arith.constant 7 : i32
        %parallel_loop3A_96 = vector.broadcast %parallel_loop3A_95 : i32 to vector<16xi32>
        %parallel_loop3A_97 = arith.addi %parallel_loop3A_62, %parallel_loop3A_96 : vector<16xi32>
        %parallel_loop3A_98 = tpu.vector_load_idx %arg5[%parallel_loop3A_97] : memref<16384xf32, #tpu.memory_space<vmem>>[vector<16xi32>], vector<16xf32>,
        %parallel_loop3A_99 = arith.constant 0 : i32
        %parallel_loop3A_100 = vector.broadcast %parallel_loop3A_99 : i32 to vector<16xi32>
        %parallel_loop3A_101 = arith.muli %iota3A, %parallel_loop3A_100 : vector<16xi32>
        %parallel_loop3A_102 = arith.constant 0 : i32
        %parallel_loop3A_103 = vector.broadcast %parallel_loop3A_102 : i32 to vector<16xi32>
        %parallel_loop3A_104 = arith.addi %parallel_loop3A_101, %parallel_loop3A_103 : vector<16xi32>
        tpu.vector_store_idx %arg8[%parallel_loop3A_66, %parallel_loop3A_104], %parallel_loop3A_70 : memref<256x32xf32, #tpu.memory_space<vmem>>[vector<16xi32>, vector<16xi32>], vector<16xf32>,
        %parallel_loop3A_105 = arith.constant 0 : i32
        %parallel_loop3A_106 = vector.broadcast %parallel_loop3A_105 : i32 to vector<16xi32>
        %parallel_loop3A_107 = arith.muli %iota3A, %parallel_loop3A_106 : vector<16xi32>
        %parallel_loop3A_108 = arith.constant 1 : i32
        %parallel_loop3A_109 = vector.broadcast %parallel_loop3A_108 : i32 to vector<16xi32>
        %parallel_loop3A_110 = arith.addi %parallel_loop3A_107, %parallel_loop3A_109 : vector<16xi32>
        tpu.vector_store_idx %arg8[%parallel_loop3A_66, %parallel_loop3A_110], %parallel_loop3A_74 : memref<256x32xf32, #tpu.memory_space<vmem>>[vector<16xi32>, vector<16xi32>], vector<16xf32>,
        %parallel_loop3A_111 = arith.constant 0 : i32
        %parallel_loop3A_112 = vector.broadcast %parallel_loop3A_111 : i32 to vector<16xi32>
        %parallel_loop3A_113 = arith.muli %iota3A, %parallel_loop3A_112 : vector<16xi32>
        %parallel_loop3A_114 = arith.constant 2 : i32
        %parallel_loop3A_115 = vector.broadcast %parallel_loop3A_114 : i32 to vector<16xi32>
        %parallel_loop3A_116 = arith.addi %parallel_loop3A_113, %parallel_loop3A_115 : vector<16xi32>
        tpu.vector_store_idx %arg8[%parallel_loop3A_66, %parallel_loop3A_116], %parallel_loop3A_78 : memref<256x32xf32, #tpu.memory_space<vmem>>[vector<16xi32>, vector<16xi32>], vector<16xf32>,
        %parallel_loop3A_117 = arith.constant 0 : i32
        %parallel_loop3A_118 = vector.broadcast %parallel_loop3A_117 : i32 to vector<16xi32>
        %parallel_loop3A_119 = arith.muli %iota3A, %parallel_loop3A_118 : vector<16xi32>
        %parallel_loop3A_120 = arith.constant 3 : i32
        %parallel_loop3A_121 = vector.broadcast %parallel_loop3A_120 : i32 to vector<16xi32>
        %parallel_loop3A_122 = arith.addi %parallel_loop3A_119, %parallel_loop3A_121 : vector<16xi32>
        tpu.vector_store_idx %arg8[%parallel_loop3A_66, %parallel_loop3A_122], %parallel_loop3A_82 : memref<256x32xf32, #tpu.memory_space<vmem>>[vector<16xi32>, vector<16xi32>], vector<16xf32>,
        %parallel_loop3A_123 = arith.constant 0 : i32
        %parallel_loop3A_124 = vector.broadcast %parallel_loop3A_123 : i32 to vector<16xi32>
        %parallel_loop3A_125 = arith.muli %iota3A, %parallel_loop3A_124 : vector<16xi32>
        %parallel_loop3A_126 = arith.constant 4 : i32
        %parallel_loop3A_127 = vector.broadcast %parallel_loop3A_126 : i32 to vector<16xi32>
        %parallel_loop3A_128 = arith.addi %parallel_loop3A_125, %parallel_loop3A_127 : vector<16xi32>
        tpu.vector_store_idx %arg8[%parallel_loop3A_66, %parallel_loop3A_128], %parallel_loop3A_86 : memref<256x32xf32, #tpu.memory_space<vmem>>[vector<16xi32>, vector<16xi32>], vector<16xf32>,
        %parallel_loop3A_129 = arith.constant 0 : i32
        %parallel_loop3A_130 = vector.broadcast %parallel_loop3A_129 : i32 to vector<16xi32>
        %parallel_loop3A_131 = arith.muli %iota3A, %parallel_loop3A_130 : vector<16xi32>
        %parallel_loop3A_132 = arith.constant 5 : i32
        %parallel_loop3A_133 = vector.broadcast %parallel_loop3A_132 : i32 to vector<16xi32>
        %parallel_loop3A_134 = arith.addi %parallel_loop3A_131, %parallel_loop3A_133 : vector<16xi32>
        tpu.vector_store_idx %arg8[%parallel_loop3A_66, %parallel_loop3A_134], %parallel_loop3A_90 : memref<256x32xf32, #tpu.memory_space<vmem>>[vector<16xi32>, vector<16xi32>], vector<16xf32>,
        %parallel_loop3A_135 = arith.constant 0 : i32
        %parallel_loop3A_136 = vector.broadcast %parallel_loop3A_135 : i32 to vector<16xi32>
        %parallel_loop3A_137 = arith.muli %iota3A, %parallel_loop3A_136 : vector<16xi32>
        %parallel_loop3A_138 = arith.constant 6 : i32
        %parallel_loop3A_139 = vector.broadcast %parallel_loop3A_138 : i32 to vector<16xi32>
        %parallel_loop3A_140 = arith.addi %parallel_loop3A_137, %parallel_loop3A_139 : vector<16xi32>
        tpu.vector_store_idx %arg8[%parallel_loop3A_66, %parallel_loop3A_140], %parallel_loop3A_94 : memref<256x32xf32, #tpu.memory_space<vmem>>[vector<16xi32>, vector<16xi32>], vector<16xf32>,
        %parallel_loop3A_141 = arith.constant 0 : i32
        %parallel_loop3A_142 = vector.broadcast %parallel_loop3A_141 : i32 to vector<16xi32>
        %parallel_loop3A_143 = arith.muli %iota3A, %parallel_loop3A_142 : vector<16xi32>
        %parallel_loop3A_144 = arith.constant 7 : i32
        %parallel_loop3A_145 = vector.broadcast %parallel_loop3A_144 : i32 to vector<16xi32>
        %parallel_loop3A_146 = arith.addi %parallel_loop3A_143, %parallel_loop3A_145 : vector<16xi32>
        tpu.vector_store_idx %arg8[%parallel_loop3A_66, %parallel_loop3A_146], %parallel_loop3A_98 : memref<256x32xf32, #tpu.memory_space<vmem>>[vector<16xi32>, vector<16xi32>], vector<16xf32>,
        %parallel_loop3A_147 = arith.constant 8 : i32
        %parallel_loop3A_148 = vector.broadcast %parallel_loop3A_147 : i32 to vector<16xi32>
        %parallel_loop3A_149 = arith.addi %parallel_loop3A_62, %parallel_loop3A_148 : vector<16xi32>
        %parallel_loop3A_150 = tpu.vector_load_idx %arg5[%parallel_loop3A_149] : memref<16384xf32, #tpu.memory_space<vmem>>[vector<16xi32>], vector<16xf32>,
        %parallel_loop3A_151 = arith.constant 9 : i32
        %parallel_loop3A_152 = vector.broadcast %parallel_loop3A_151 : i32 to vector<16xi32>
        %parallel_loop3A_153 = arith.addi %parallel_loop3A_62, %parallel_loop3A_152 : vector<16xi32>
        %parallel_loop3A_154 = tpu.vector_load_idx %arg5[%parallel_loop3A_153] : memref<16384xf32, #tpu.memory_space<vmem>>[vector<16xi32>], vector<16xf32>,
        %parallel_loop3A_155 = arith.constant 10 : i32
        %parallel_loop3A_156 = vector.broadcast %parallel_loop3A_155 : i32 to vector<16xi32>
        %parallel_loop3A_157 = arith.addi %parallel_loop3A_62, %parallel_loop3A_156 : vector<16xi32>
        %parallel_loop3A_158 = tpu.vector_load_idx %arg5[%parallel_loop3A_157] : memref<16384xf32, #tpu.memory_space<vmem>>[vector<16xi32>], vector<16xf32>,
        %parallel_loop3A_159 = arith.constant 11 : i32
        %parallel_loop3A_160 = vector.broadcast %parallel_loop3A_159 : i32 to vector<16xi32>
        %parallel_loop3A_161 = arith.addi %parallel_loop3A_62, %parallel_loop3A_160 : vector<16xi32>
        %parallel_loop3A_162 = tpu.vector_load_idx %arg5[%parallel_loop3A_161] : memref<16384xf32, #tpu.memory_space<vmem>>[vector<16xi32>], vector<16xf32>,
        %parallel_loop3A_163 = arith.constant 12 : i32
        %parallel_loop3A_164 = vector.broadcast %parallel_loop3A_163 : i32 to vector<16xi32>
        %parallel_loop3A_165 = arith.addi %parallel_loop3A_62, %parallel_loop3A_164 : vector<16xi32>
        %parallel_loop3A_166 = tpu.vector_load_idx %arg5[%parallel_loop3A_165] : memref<16384xf32, #tpu.memory_space<vmem>>[vector<16xi32>], vector<16xf32>,
        %parallel_loop3A_167 = arith.constant 13 : i32
        %parallel_loop3A_168 = vector.broadcast %parallel_loop3A_167 : i32 to vector<16xi32>
        %parallel_loop3A_169 = arith.addi %parallel_loop3A_62, %parallel_loop3A_168 : vector<16xi32>
        %parallel_loop3A_170 = tpu.vector_load_idx %arg5[%parallel_loop3A_169] : memref<16384xf32, #tpu.memory_space<vmem>>[vector<16xi32>], vector<16xf32>,
        %parallel_loop3A_171 = arith.constant 14 : i32
        %parallel_loop3A_172 = vector.broadcast %parallel_loop3A_171 : i32 to vector<16xi32>
        %parallel_loop3A_173 = arith.addi %parallel_loop3A_62, %parallel_loop3A_172 : vector<16xi32>
        %parallel_loop3A_174 = tpu.vector_load_idx %arg5[%parallel_loop3A_173] : memref<16384xf32, #tpu.memory_space<vmem>>[vector<16xi32>], vector<16xf32>,
        %parallel_loop3A_175 = arith.constant 15 : i32
        %parallel_loop3A_176 = vector.broadcast %parallel_loop3A_175 : i32 to vector<16xi32>
        %parallel_loop3A_177 = arith.addi %parallel_loop3A_62, %parallel_loop3A_176 : vector<16xi32>
        %parallel_loop3A_178 = tpu.vector_load_idx %arg5[%parallel_loop3A_177] : memref<16384xf32, #tpu.memory_space<vmem>>[vector<16xi32>], vector<16xf32>,
        %parallel_loop3A_179 = arith.constant 0 : i32
        %parallel_loop3A_180 = vector.broadcast %parallel_loop3A_179 : i32 to vector<16xi32>
        %parallel_loop3A_181 = arith.muli %iota3A, %parallel_loop3A_180 : vector<16xi32>
        %parallel_loop3A_182 = arith.constant 8 : i32
        %parallel_loop3A_183 = vector.broadcast %parallel_loop3A_182 : i32 to vector<16xi32>
        %parallel_loop3A_184 = arith.addi %parallel_loop3A_181, %parallel_loop3A_183 : vector<16xi32>
        tpu.vector_store_idx %arg8[%parallel_loop3A_66, %parallel_loop3A_184], %parallel_loop3A_150 : memref<256x32xf32, #tpu.memory_space<vmem>>[vector<16xi32>, vector<16xi32>], vector<16xf32>,
        %parallel_loop3A_185 = arith.constant 0 : i32
        %parallel_loop3A_186 = vector.broadcast %parallel_loop3A_185 : i32 to vector<16xi32>
        %parallel_loop3A_187 = arith.muli %iota3A, %parallel_loop3A_186 : vector<16xi32>
        %parallel_loop3A_188 = arith.constant 9 : i32
        %parallel_loop3A_189 = vector.broadcast %parallel_loop3A_188 : i32 to vector<16xi32>
        %parallel_loop3A_190 = arith.addi %parallel_loop3A_187, %parallel_loop3A_189 : vector<16xi32>
        tpu.vector_store_idx %arg8[%parallel_loop3A_66, %parallel_loop3A_190], %parallel_loop3A_154 : memref<256x32xf32, #tpu.memory_space<vmem>>[vector<16xi32>, vector<16xi32>], vector<16xf32>,
        %parallel_loop3A_191 = arith.constant 0 : i32
        %parallel_loop3A_192 = vector.broadcast %parallel_loop3A_191 : i32 to vector<16xi32>
        %parallel_loop3A_193 = arith.muli %iota3A, %parallel_loop3A_192 : vector<16xi32>
        %parallel_loop3A_194 = arith.constant 10 : i32
        %parallel_loop3A_195 = vector.broadcast %parallel_loop3A_194 : i32 to vector<16xi32>
        %parallel_loop3A_196 = arith.addi %parallel_loop3A_193, %parallel_loop3A_195 : vector<16xi32>
        tpu.vector_store_idx %arg8[%parallel_loop3A_66, %parallel_loop3A_196], %parallel_loop3A_158 : memref<256x32xf32, #tpu.memory_space<vmem>>[vector<16xi32>, vector<16xi32>], vector<16xf32>,
        %parallel_loop3A_197 = arith.constant 0 : i32
        %parallel_loop3A_198 = vector.broadcast %parallel_loop3A_197 : i32 to vector<16xi32>
        %parallel_loop3A_199 = arith.muli %iota3A, %parallel_loop3A_198 : vector<16xi32>
        %parallel_loop3A_200 = arith.constant 11 : i32
        %parallel_loop3A_201 = vector.broadcast %parallel_loop3A_200 : i32 to vector<16xi32>
        %parallel_loop3A_202 = arith.addi %parallel_loop3A_199, %parallel_loop3A_201 : vector<16xi32>
        tpu.vector_store_idx %arg8[%parallel_loop3A_66, %parallel_loop3A_202], %parallel_loop3A_162 : memref<256x32xf32, #tpu.memory_space<vmem>>[vector<16xi32>, vector<16xi32>], vector<16xf32>,
        %parallel_loop3A_203 = arith.constant 0 : i32
        %parallel_loop3A_204 = vector.broadcast %parallel_loop3A_203 : i32 to vector<16xi32>
        %parallel_loop3A_205 = arith.muli %iota3A, %parallel_loop3A_204 : vector<16xi32>
        %parallel_loop3A_206 = arith.constant 12 : i32
        %parallel_loop3A_207 = vector.broadcast %parallel_loop3A_206 : i32 to vector<16xi32>
        %parallel_loop3A_208 = arith.addi %parallel_loop3A_205, %parallel_loop3A_207 : vector<16xi32>
        tpu.vector_store_idx %arg8[%parallel_loop3A_66, %parallel_loop3A_208], %parallel_loop3A_166 : memref<256x32xf32, #tpu.memory_space<vmem>>[vector<16xi32>, vector<16xi32>], vector<16xf32>,
        %parallel_loop3A_209 = arith.constant 0 : i32
        %parallel_loop3A_210 = vector.broadcast %parallel_loop3A_209 : i32 to vector<16xi32>
        %parallel_loop3A_211 = arith.muli %iota3A, %parallel_loop3A_210 : vector<16xi32>
        %parallel_loop3A_212 = arith.constant 13 : i32
        %parallel_loop3A_213 = vector.broadcast %parallel_loop3A_212 : i32 to vector<16xi32>
        %parallel_loop3A_214 = arith.addi %parallel_loop3A_211, %parallel_loop3A_213 : vector<16xi32>
        tpu.vector_store_idx %arg8[%parallel_loop3A_66, %parallel_loop3A_214], %parallel_loop3A_170 : memref<256x32xf32, #tpu.memory_space<vmem>>[vector<16xi32>, vector<16xi32>], vector<16xf32>,
        %parallel_loop3A_215 = arith.constant 0 : i32
        %parallel_loop3A_216 = vector.broadcast %parallel_loop3A_215 : i32 to vector<16xi32>
        %parallel_loop3A_217 = arith.muli %iota3A, %parallel_loop3A_216 : vector<16xi32>
        %parallel_loop3A_218 = arith.constant 14 : i32
        %parallel_loop3A_219 = vector.broadcast %parallel_loop3A_218 : i32 to vector<16xi32>
        %parallel_loop3A_220 = arith.addi %parallel_loop3A_217, %parallel_loop3A_219 : vector<16xi32>
        tpu.vector_store_idx %arg8[%parallel_loop3A_66, %parallel_loop3A_220], %parallel_loop3A_174 : memref<256x32xf32, #tpu.memory_space<vmem>>[vector<16xi32>, vector<16xi32>], vector<16xf32>,
        %parallel_loop3A_221 = arith.constant 0 : i32
        %parallel_loop3A_222 = vector.broadcast %parallel_loop3A_221 : i32 to vector<16xi32>
        %parallel_loop3A_223 = arith.muli %iota3A, %parallel_loop3A_222 : vector<16xi32>
        %parallel_loop3A_224 = arith.constant 15 : i32
        %parallel_loop3A_225 = vector.broadcast %parallel_loop3A_224 : i32 to vector<16xi32>
        %parallel_loop3A_226 = arith.addi %parallel_loop3A_223, %parallel_loop3A_225 : vector<16xi32>
        tpu.vector_store_idx %arg8[%parallel_loop3A_66, %parallel_loop3A_226], %parallel_loop3A_178 : memref<256x32xf32, #tpu.memory_space<vmem>>[vector<16xi32>, vector<16xi32>], vector<16xf32>,
        %parallel_loop3A_227 = arith.constant 16 : i32
        %parallel_loop3A_228 = vector.broadcast %parallel_loop3A_227 : i32 to vector<16xi32>
        %parallel_loop3A_229 = arith.addi %parallel_loop3A_62, %parallel_loop3A_228 : vector<16xi32>
        %parallel_loop3A_230 = tpu.vector_load_idx %arg5[%parallel_loop3A_229] : memref<16384xf32, #tpu.memory_space<vmem>>[vector<16xi32>], vector<16xf32>,
        %parallel_loop3A_231 = arith.constant 17 : i32
        %parallel_loop3A_232 = vector.broadcast %parallel_loop3A_231 : i32 to vector<16xi32>
        %parallel_loop3A_233 = arith.addi %parallel_loop3A_62, %parallel_loop3A_232 : vector<16xi32>
        %parallel_loop3A_234 = tpu.vector_load_idx %arg5[%parallel_loop3A_233] : memref<16384xf32, #tpu.memory_space<vmem>>[vector<16xi32>], vector<16xf32>,
        %parallel_loop3A_235 = arith.constant 18 : i32
        %parallel_loop3A_236 = vector.broadcast %parallel_loop3A_235 : i32 to vector<16xi32>
        %parallel_loop3A_237 = arith.addi %parallel_loop3A_62, %parallel_loop3A_236 : vector<16xi32>
        %parallel_loop3A_238 = tpu.vector_load_idx %arg5[%parallel_loop3A_237] : memref<16384xf32, #tpu.memory_space<vmem>>[vector<16xi32>], vector<16xf32>,
        %parallel_loop3A_239 = arith.constant 19 : i32
        %parallel_loop3A_240 = vector.broadcast %parallel_loop3A_239 : i32 to vector<16xi32>
        %parallel_loop3A_241 = arith.addi %parallel_loop3A_62, %parallel_loop3A_240 : vector<16xi32>
        %parallel_loop3A_242 = tpu.vector_load_idx %arg5[%parallel_loop3A_241] : memref<16384xf32, #tpu.memory_space<vmem>>[vector<16xi32>], vector<16xf32>,
        %parallel_loop3A_243 = arith.constant 20 : i32
        %parallel_loop3A_244 = vector.broadcast %parallel_loop3A_243 : i32 to vector<16xi32>
        %parallel_loop3A_245 = arith.addi %parallel_loop3A_62, %parallel_loop3A_244 : vector<16xi32>
        %parallel_loop3A_246 = tpu.vector_load_idx %arg5[%parallel_loop3A_245] : memref<16384xf32, #tpu.memory_space<vmem>>[vector<16xi32>], vector<16xf32>,
        %parallel_loop3A_247 = arith.constant 21 : i32
        %parallel_loop3A_248 = vector.broadcast %parallel_loop3A_247 : i32 to vector<16xi32>
        %parallel_loop3A_249 = arith.addi %parallel_loop3A_62, %parallel_loop3A_248 : vector<16xi32>
        %parallel_loop3A_250 = tpu.vector_load_idx %arg5[%parallel_loop3A_249] : memref<16384xf32, #tpu.memory_space<vmem>>[vector<16xi32>], vector<16xf32>,
        %parallel_loop3A_251 = arith.constant 22 : i32
        %parallel_loop3A_252 = vector.broadcast %parallel_loop3A_251 : i32 to vector<16xi32>
        %parallel_loop3A_253 = arith.addi %parallel_loop3A_62, %parallel_loop3A_252 : vector<16xi32>
        %parallel_loop3A_254 = tpu.vector_load_idx %arg5[%parallel_loop3A_253] : memref<16384xf32, #tpu.memory_space<vmem>>[vector<16xi32>], vector<16xf32>,
        %parallel_loop3A_255 = arith.constant 23 : i32
        %parallel_loop3A_256 = vector.broadcast %parallel_loop3A_255 : i32 to vector<16xi32>
        %parallel_loop3A_257 = arith.addi %parallel_loop3A_62, %parallel_loop3A_256 : vector<16xi32>
        %parallel_loop3A_258 = tpu.vector_load_idx %arg5[%parallel_loop3A_257] : memref<16384xf32, #tpu.memory_space<vmem>>[vector<16xi32>], vector<16xf32>,
        %parallel_loop3A_259 = arith.constant 0 : i32
        %parallel_loop3A_260 = vector.broadcast %parallel_loop3A_259 : i32 to vector<16xi32>
        %parallel_loop3A_261 = arith.muli %iota3A, %parallel_loop3A_260 : vector<16xi32>
        %parallel_loop3A_262 = arith.constant 16 : i32
        %parallel_loop3A_263 = vector.broadcast %parallel_loop3A_262 : i32 to vector<16xi32>
        %parallel_loop3A_264 = arith.addi %parallel_loop3A_261, %parallel_loop3A_263 : vector<16xi32>
        tpu.vector_store_idx %arg8[%parallel_loop3A_66, %parallel_loop3A_264], %parallel_loop3A_230 : memref<256x32xf32, #tpu.memory_space<vmem>>[vector<16xi32>, vector<16xi32>], vector<16xf32>,
        %parallel_loop3A_265 = arith.constant 0 : i32
        %parallel_loop3A_266 = vector.broadcast %parallel_loop3A_265 : i32 to vector<16xi32>
        %parallel_loop3A_267 = arith.muli %iota3A, %parallel_loop3A_266 : vector<16xi32>
        %parallel_loop3A_268 = arith.constant 17 : i32
        %parallel_loop3A_269 = vector.broadcast %parallel_loop3A_268 : i32 to vector<16xi32>
        %parallel_loop3A_270 = arith.addi %parallel_loop3A_267, %parallel_loop3A_269 : vector<16xi32>
        tpu.vector_store_idx %arg8[%parallel_loop3A_66, %parallel_loop3A_270], %parallel_loop3A_234 : memref<256x32xf32, #tpu.memory_space<vmem>>[vector<16xi32>, vector<16xi32>], vector<16xf32>,
        %parallel_loop3A_271 = arith.constant 0 : i32
        %parallel_loop3A_272 = vector.broadcast %parallel_loop3A_271 : i32 to vector<16xi32>
        %parallel_loop3A_273 = arith.muli %iota3A, %parallel_loop3A_272 : vector<16xi32>
        %parallel_loop3A_274 = arith.constant 18 : i32
        %parallel_loop3A_275 = vector.broadcast %parallel_loop3A_274 : i32 to vector<16xi32>
        %parallel_loop3A_276 = arith.addi %parallel_loop3A_273, %parallel_loop3A_275 : vector<16xi32>
        tpu.vector_store_idx %arg8[%parallel_loop3A_66, %parallel_loop3A_276], %parallel_loop3A_238 : memref<256x32xf32, #tpu.memory_space<vmem>>[vector<16xi32>, vector<16xi32>], vector<16xf32>,
        %parallel_loop3A_277 = arith.constant 0 : i32
        %parallel_loop3A_278 = vector.broadcast %parallel_loop3A_277 : i32 to vector<16xi32>
        %parallel_loop3A_279 = arith.muli %iota3A, %parallel_loop3A_278 : vector<16xi32>
        %parallel_loop3A_280 = arith.constant 19 : i32
        %parallel_loop3A_281 = vector.broadcast %parallel_loop3A_280 : i32 to vector<16xi32>
        %parallel_loop3A_282 = arith.addi %parallel_loop3A_279, %parallel_loop3A_281 : vector<16xi32>
        tpu.vector_store_idx %arg8[%parallel_loop3A_66, %parallel_loop3A_282], %parallel_loop3A_242 : memref<256x32xf32, #tpu.memory_space<vmem>>[vector<16xi32>, vector<16xi32>], vector<16xf32>,
        %parallel_loop3A_283 = arith.constant 0 : i32
        %parallel_loop3A_284 = vector.broadcast %parallel_loop3A_283 : i32 to vector<16xi32>
        %parallel_loop3A_285 = arith.muli %iota3A, %parallel_loop3A_284 : vector<16xi32>
        %parallel_loop3A_286 = arith.constant 20 : i32
        %parallel_loop3A_287 = vector.broadcast %parallel_loop3A_286 : i32 to vector<16xi32>
        %parallel_loop3A_288 = arith.addi %parallel_loop3A_285, %parallel_loop3A_287 : vector<16xi32>
        tpu.vector_store_idx %arg8[%parallel_loop3A_66, %parallel_loop3A_288], %parallel_loop3A_246 : memref<256x32xf32, #tpu.memory_space<vmem>>[vector<16xi32>, vector<16xi32>], vector<16xf32>,
        %parallel_loop3A_289 = arith.constant 0 : i32
        %parallel_loop3A_290 = vector.broadcast %parallel_loop3A_289 : i32 to vector<16xi32>
        %parallel_loop3A_291 = arith.muli %iota3A, %parallel_loop3A_290 : vector<16xi32>
        %parallel_loop3A_292 = arith.constant 21 : i32
        %parallel_loop3A_293 = vector.broadcast %parallel_loop3A_292 : i32 to vector<16xi32>
        %parallel_loop3A_294 = arith.addi %parallel_loop3A_291, %parallel_loop3A_293 : vector<16xi32>
        tpu.vector_store_idx %arg8[%parallel_loop3A_66, %parallel_loop3A_294], %parallel_loop3A_250 : memref<256x32xf32, #tpu.memory_space<vmem>>[vector<16xi32>, vector<16xi32>], vector<16xf32>,
        %parallel_loop3A_295 = arith.constant 0 : i32
        %parallel_loop3A_296 = vector.broadcast %parallel_loop3A_295 : i32 to vector<16xi32>
        %parallel_loop3A_297 = arith.muli %iota3A, %parallel_loop3A_296 : vector<16xi32>
        %parallel_loop3A_298 = arith.constant 22 : i32
        %parallel_loop3A_299 = vector.broadcast %parallel_loop3A_298 : i32 to vector<16xi32>
        %parallel_loop3A_300 = arith.addi %parallel_loop3A_297, %parallel_loop3A_299 : vector<16xi32>
        tpu.vector_store_idx %arg8[%parallel_loop3A_66, %parallel_loop3A_300], %parallel_loop3A_254 : memref<256x32xf32, #tpu.memory_space<vmem>>[vector<16xi32>, vector<16xi32>], vector<16xf32>,
        %parallel_loop3A_301 = arith.constant 0 : i32
        %parallel_loop3A_302 = vector.broadcast %parallel_loop3A_301 : i32 to vector<16xi32>
        %parallel_loop3A_303 = arith.muli %iota3A, %parallel_loop3A_302 : vector<16xi32>
        %parallel_loop3A_304 = arith.constant 23 : i32
        %parallel_loop3A_305 = vector.broadcast %parallel_loop3A_304 : i32 to vector<16xi32>
        %parallel_loop3A_306 = arith.addi %parallel_loop3A_303, %parallel_loop3A_305 : vector<16xi32>
        tpu.vector_store_idx %arg8[%parallel_loop3A_66, %parallel_loop3A_306], %parallel_loop3A_258 : memref<256x32xf32, #tpu.memory_space<vmem>>[vector<16xi32>, vector<16xi32>], vector<16xf32>,
        %parallel_loop3A_307 = arith.constant 24 : i32
        %parallel_loop3A_308 = vector.broadcast %parallel_loop3A_307 : i32 to vector<16xi32>
        %parallel_loop3A_309 = arith.addi %parallel_loop3A_62, %parallel_loop3A_308 : vector<16xi32>
        %parallel_loop3A_310 = tpu.vector_load_idx %arg5[%parallel_loop3A_309] : memref<16384xf32, #tpu.memory_space<vmem>>[vector<16xi32>], vector<16xf32>,
        %parallel_loop3A_311 = arith.constant 25 : i32
        %parallel_loop3A_312 = vector.broadcast %parallel_loop3A_311 : i32 to vector<16xi32>
        %parallel_loop3A_313 = arith.addi %parallel_loop3A_62, %parallel_loop3A_312 : vector<16xi32>
        %parallel_loop3A_314 = tpu.vector_load_idx %arg5[%parallel_loop3A_313] : memref<16384xf32, #tpu.memory_space<vmem>>[vector<16xi32>], vector<16xf32>,
        %parallel_loop3A_315 = arith.constant 26 : i32
        %parallel_loop3A_316 = vector.broadcast %parallel_loop3A_315 : i32 to vector<16xi32>
        %parallel_loop3A_317 = arith.addi %parallel_loop3A_62, %parallel_loop3A_316 : vector<16xi32>
        %parallel_loop3A_318 = tpu.vector_load_idx %arg5[%parallel_loop3A_317] : memref<16384xf32, #tpu.memory_space<vmem>>[vector<16xi32>], vector<16xf32>,
        %parallel_loop3A_319 = arith.constant 27 : i32
        %parallel_loop3A_320 = vector.broadcast %parallel_loop3A_319 : i32 to vector<16xi32>
        %parallel_loop3A_321 = arith.addi %parallel_loop3A_62, %parallel_loop3A_320 : vector<16xi32>
        %parallel_loop3A_322 = tpu.vector_load_idx %arg5[%parallel_loop3A_321] : memref<16384xf32, #tpu.memory_space<vmem>>[vector<16xi32>], vector<16xf32>,
        %parallel_loop3A_323 = arith.constant 28 : i32
        %parallel_loop3A_324 = vector.broadcast %parallel_loop3A_323 : i32 to vector<16xi32>
        %parallel_loop3A_325 = arith.addi %parallel_loop3A_62, %parallel_loop3A_324 : vector<16xi32>
        %parallel_loop3A_326 = tpu.vector_load_idx %arg5[%parallel_loop3A_325] : memref<16384xf32, #tpu.memory_space<vmem>>[vector<16xi32>], vector<16xf32>,
        %parallel_loop3A_327 = arith.constant 29 : i32
        %parallel_loop3A_328 = vector.broadcast %parallel_loop3A_327 : i32 to vector<16xi32>
        %parallel_loop3A_329 = arith.addi %parallel_loop3A_62, %parallel_loop3A_328 : vector<16xi32>
        %parallel_loop3A_330 = tpu.vector_load_idx %arg5[%parallel_loop3A_329] : memref<16384xf32, #tpu.memory_space<vmem>>[vector<16xi32>], vector<16xf32>,
        %parallel_loop3A_331 = arith.constant 30 : i32
        %parallel_loop3A_332 = vector.broadcast %parallel_loop3A_331 : i32 to vector<16xi32>
        %parallel_loop3A_333 = arith.addi %parallel_loop3A_62, %parallel_loop3A_332 : vector<16xi32>
        %parallel_loop3A_334 = tpu.vector_load_idx %arg5[%parallel_loop3A_333] : memref<16384xf32, #tpu.memory_space<vmem>>[vector<16xi32>], vector<16xf32>,
        %parallel_loop3A_335 = arith.constant 31 : i32
        %parallel_loop3A_336 = vector.broadcast %parallel_loop3A_335 : i32 to vector<16xi32>
        %parallel_loop3A_337 = arith.addi %parallel_loop3A_62, %parallel_loop3A_336 : vector<16xi32>
        %parallel_loop3A_338 = tpu.vector_load_idx %arg5[%parallel_loop3A_337] : memref<16384xf32, #tpu.memory_space<vmem>>[vector<16xi32>], vector<16xf32>,
        %parallel_loop3A_339 = arith.constant 0 : i32
        %parallel_loop3A_340 = vector.broadcast %parallel_loop3A_339 : i32 to vector<16xi32>
        %parallel_loop3A_341 = arith.muli %iota3A, %parallel_loop3A_340 : vector<16xi32>
        %parallel_loop3A_342 = arith.constant 24 : i32
        %parallel_loop3A_343 = vector.broadcast %parallel_loop3A_342 : i32 to vector<16xi32>
        %parallel_loop3A_344 = arith.addi %parallel_loop3A_341, %parallel_loop3A_343 : vector<16xi32>
        tpu.vector_store_idx %arg8[%parallel_loop3A_66, %parallel_loop3A_344], %parallel_loop3A_310 : memref<256x32xf32, #tpu.memory_space<vmem>>[vector<16xi32>, vector<16xi32>], vector<16xf32>,
        %parallel_loop3A_345 = arith.constant 0 : i32
        %parallel_loop3A_346 = vector.broadcast %parallel_loop3A_345 : i32 to vector<16xi32>
        %parallel_loop3A_347 = arith.muli %iota3A, %parallel_loop3A_346 : vector<16xi32>
        %parallel_loop3A_348 = arith.constant 25 : i32
        %parallel_loop3A_349 = vector.broadcast %parallel_loop3A_348 : i32 to vector<16xi32>
        %parallel_loop3A_350 = arith.addi %parallel_loop3A_347, %parallel_loop3A_349 : vector<16xi32>
        tpu.vector_store_idx %arg8[%parallel_loop3A_66, %parallel_loop3A_350], %parallel_loop3A_314 : memref<256x32xf32, #tpu.memory_space<vmem>>[vector<16xi32>, vector<16xi32>], vector<16xf32>,
        %parallel_loop3A_351 = arith.constant 0 : i32
        %parallel_loop3A_352 = vector.broadcast %parallel_loop3A_351 : i32 to vector<16xi32>
        %parallel_loop3A_353 = arith.muli %iota3A, %parallel_loop3A_352 : vector<16xi32>
        %parallel_loop3A_354 = arith.constant 26 : i32
        %parallel_loop3A_355 = vector.broadcast %parallel_loop3A_354 : i32 to vector<16xi32>
        %parallel_loop3A_356 = arith.addi %parallel_loop3A_353, %parallel_loop3A_355 : vector<16xi32>
        tpu.vector_store_idx %arg8[%parallel_loop3A_66, %parallel_loop3A_356], %parallel_loop3A_318 : memref<256x32xf32, #tpu.memory_space<vmem>>[vector<16xi32>, vector<16xi32>], vector<16xf32>,
        %parallel_loop3A_357 = arith.constant 0 : i32
        %parallel_loop3A_358 = vector.broadcast %parallel_loop3A_357 : i32 to vector<16xi32>
        %parallel_loop3A_359 = arith.muli %iota3A, %parallel_loop3A_358 : vector<16xi32>
        %parallel_loop3A_360 = arith.constant 27 : i32
        %parallel_loop3A_361 = vector.broadcast %parallel_loop3A_360 : i32 to vector<16xi32>
        %parallel_loop3A_362 = arith.addi %parallel_loop3A_359, %parallel_loop3A_361 : vector<16xi32>
        tpu.vector_store_idx %arg8[%parallel_loop3A_66, %parallel_loop3A_362], %parallel_loop3A_322 : memref<256x32xf32, #tpu.memory_space<vmem>>[vector<16xi32>, vector<16xi32>], vector<16xf32>,
        %parallel_loop3A_363 = arith.constant 0 : i32
        %parallel_loop3A_364 = vector.broadcast %parallel_loop3A_363 : i32 to vector<16xi32>
        %parallel_loop3A_365 = arith.muli %iota3A, %parallel_loop3A_364 : vector<16xi32>
        %parallel_loop3A_366 = arith.constant 28 : i32
        %parallel_loop3A_367 = vector.broadcast %parallel_loop3A_366 : i32 to vector<16xi32>
        %parallel_loop3A_368 = arith.addi %parallel_loop3A_365, %parallel_loop3A_367 : vector<16xi32>
        tpu.vector_store_idx %arg8[%parallel_loop3A_66, %parallel_loop3A_368], %parallel_loop3A_326 : memref<256x32xf32, #tpu.memory_space<vmem>>[vector<16xi32>, vector<16xi32>], vector<16xf32>,
        %parallel_loop3A_369 = arith.constant 0 : i32
        %parallel_loop3A_370 = vector.broadcast %parallel_loop3A_369 : i32 to vector<16xi32>
        %parallel_loop3A_371 = arith.muli %iota3A, %parallel_loop3A_370 : vector<16xi32>
        %parallel_loop3A_372 = arith.constant 29 : i32
        %parallel_loop3A_373 = vector.broadcast %parallel_loop3A_372 : i32 to vector<16xi32>
        %parallel_loop3A_374 = arith.addi %parallel_loop3A_371, %parallel_loop3A_373 : vector<16xi32>
        tpu.vector_store_idx %arg8[%parallel_loop3A_66, %parallel_loop3A_374], %parallel_loop3A_330 : memref<256x32xf32, #tpu.memory_space<vmem>>[vector<16xi32>, vector<16xi32>], vector<16xf32>,
        %parallel_loop3A_375 = arith.constant 0 : i32
        %parallel_loop3A_376 = vector.broadcast %parallel_loop3A_375 : i32 to vector<16xi32>
        %parallel_loop3A_377 = arith.muli %iota3A, %parallel_loop3A_376 : vector<16xi32>
        %parallel_loop3A_378 = arith.constant 30 : i32
        %parallel_loop3A_379 = vector.broadcast %parallel_loop3A_378 : i32 to vector<16xi32>
        %parallel_loop3A_380 = arith.addi %parallel_loop3A_377, %parallel_loop3A_379 : vector<16xi32>
        tpu.vector_store_idx %arg8[%parallel_loop3A_66, %parallel_loop3A_380], %parallel_loop3A_334 : memref<256x32xf32, #tpu.memory_space<vmem>>[vector<16xi32>, vector<16xi32>], vector<16xf32>,
        %parallel_loop3A_381 = arith.constant 0 : i32
        %parallel_loop3A_382 = vector.broadcast %parallel_loop3A_381 : i32 to vector<16xi32>
        %parallel_loop3A_383 = arith.muli %iota3A, %parallel_loop3A_382 : vector<16xi32>
        %parallel_loop3A_384 = arith.constant 31 : i32
        %parallel_loop3A_385 = vector.broadcast %parallel_loop3A_384 : i32 to vector<16xi32>
        %parallel_loop3A_386 = arith.addi %parallel_loop3A_383, %parallel_loop3A_385 : vector<16xi32>
        tpu.vector_store_idx %arg8[%parallel_loop3A_66, %parallel_loop3A_386], %parallel_loop3A_338 : memref<256x32xf32, #tpu.memory_space<vmem>>[vector<16xi32>, vector<16xi32>], vector<16xf32>,
      } {sc.loop_unroll_factor = 4 : i64, sc.parallel_access}
      %mul3A_48 = arith.constant 256 : i32
      %mul3A_49 = arith.muli %add3A_36, %mul3A_48 : i32
      %add3A_50 = arith.addi %mul3A_2, %mul3A_49 : i32
      %dma_start3A_51 = arith.constant 0 : i32
      %dma_start3A_52 = tpu.memref_slice %arg4[%add3A_50, %dma_start3A_51] : memref<262144x32xf32, #tpu.memory_space<hbm>> -> memref<256x32xf32, #tpu.memory_space<hbm>>
      %dma_start3A_53 = arith.constant 0 : i32
      %dma_start3A_54 = tpu.memref_slice %arg4[%add3A_50, %dma_start3A_53] : memref<262144x32xf32, #tpu.memory_space<hbm>> -> memref<256x32xf32, #tpu.memory_space<hbm>>
      tpu.enqueue_dma source(%arg8 : memref<256x32xf32, #tpu.memory_space<vmem>>) target(%dma_start3A_54 : memref<256x32xf32, #tpu.memory_space<hbm>>) target_semaphore(%arg10 : memref<!tpu.dma_semaphore, #tpu.memory_space<semaphore_mem>>)
    }
    %scan3A_7 = arith.constant 16 : i32
    %dma_wait3A = arith.constant 0 : i32
    %dma_wait3A_8 = tpu.memref_slice %arg4[%mul3A_2, %dma_wait3A] : memref<262144x32xf32, #tpu.memory_space<hbm>> -> memref<256x32xf32, #tpu.memory_space<hbm>>
    %dma_wait3A_9 = arith.constant 0 : i32
    %dma_wait3A_10 = tpu.memref_slice %arg4[%mul3A_2, %dma_wait3A_9] : memref<262144x32xf32, #tpu.memory_space<hbm>> -> memref<256x32xf32, #tpu.memory_space<hbm>>
    tpu.wait_dma2 semaphore(%arg9 : memref<!tpu.dma_semaphore, #tpu.memory_space<semaphore_mem>>) src(%arg7 : memref<256x32xf32, #tpu.memory_space<vmem>>) dst(%dma_wait3A_10 : memref<256x32xf32, #tpu.memory_space<hbm>>)
    %dma_wait3A_11 = arith.constant 0 : i32
    %dma_wait3A_12 = tpu.memref_slice %arg4[%mul3A_2, %dma_wait3A_11] : memref<262144x32xf32, #tpu.memory_space<hbm>> -> memref<256x32xf32, #tpu.memory_space<hbm>>
    %dma_wait3A_13 = arith.constant 0 : i32
    %dma_wait3A_14 = tpu.memref_slice %arg4[%mul3A_2, %dma_wait3A_13] : memref<262144x32xf32, #tpu.memory_space<hbm>> -> memref<256x32xf32, #tpu.memory_space<hbm>>
    tpu.wait_dma2 semaphore(%arg10 : memref<!tpu.dma_semaphore, #tpu.memory_space<semaphore_mem>>) src(%arg8 : memref<256x32xf32, #tpu.memory_space<vmem>>) dst(%dma_wait3A_14 : memref<256x32xf32, #tpu.memory_space<hbm>>)
    return
  }
}

module attributes {stable_mosaic.version = 14 : i64} {
  func.func @_tc_body(%arg0: i32, %arg1: memref<2048x32xf32, #tpu.memory_space<vmem>>, %arg2: memref<512x32xf32, #tpu.memory_space<vmem>>, %arg3: memref<1x1x2048xi32, #tpu.memory_space<vmem>>, %arg4: memref<1x1xf32, #tpu.memory_space<vmem>>) attributes {dimension_semantics = [#tpu.dimension_semantics<arbitrary>], iteration_bounds = array<i64: 128>, scalar_prefetch = 0 : i64, scratch_operands = 0 : i64, tpu.core_type = #tpu.core_type<tc>, window_params = [{transform_indices = @transform_0, window_bounds = array<i64: 2048, 32>}, {pipeline_mode = #tpu.pipeline_mode<synchronous>, transform_indices = @transform_1, window_bounds = array<i64: 512, 32>}, {transform_indices = @transform_2, window_bounds = array<i64: 1, 1, 2048>}, {pipeline_mode = #tpu.pipeline_mode<synchronous>, transform_indices = @transform_3, window_bounds = array<i64: 1, 1>}]} {
    %get3A = arith.constant 0 : index
    %get3A_0 = arith.constant 0 : index
    %get3A_1 = vector.load %arg1[%get3A, %get3A_0] : memref<2048x32xf32, #tpu.memory_space<vmem>>, vector<2048x32xf32>
    %get3A_2 = arith.constant 0 : index
    %get3A_3 = arith.constant 0 : index
    %get3A_4 = vector.load %arg2[%get3A_2, %get3A_3] : memref<512x32xf32, #tpu.memory_space<vmem>>, vector<512x32xf32>
    %dot_general3A = arith.constant dense<0.000000e+00> : vector<512x2048xf32>
    %dot_general3A_5 = tpu.matmul %get3A_4, %get3A_1, %dot_general3A {dimension_numbers = #tpu.dot_dimension_numbers<[1], [1], [0], [0], [0, 0, 1, 0], [], []>, transpose_lhs_hint = false} : vector<512x32xf32>, vector<2048x32xf32>, vector<512x2048xf32> -> vector<512x2048xf32>
    %mul3A = arith.mulf %get3A_1, %get3A_1 : vector<2048x32xf32>
    %reduce_sum3A = arith.constant dense<0.000000e+00> : vector<2048xf32>
    %reduce_sum3A_6 = vector.multi_reduction <add>, %mul3A, %reduce_sum3A [1] : vector<2048x32xf32> to vector<2048xf32>
    %broadcast_in_dim3A = vector.shape_cast %reduce_sum3A_6 : vector<2048xf32> to vector<2048x1xf32>
    %transpose3A = tpu.transpose %broadcast_in_dim3A, [1, 0] : vector<2048x1xf32> -> vector<1x2048xf32>
    %mul3A_7 = arith.mulf %get3A_4, %get3A_4 : vector<512x32xf32>
    %reduce_sum3A_8 = arith.constant dense<0.000000e+00> : vector<512xf32>
    %reduce_sum3A_9 = vector.multi_reduction <add>, %mul3A_7, %reduce_sum3A_8 [1] : vector<512x32xf32> to vector<512xf32>
    %broadcast_in_dim3A_10 = vector.shape_cast %reduce_sum3A_9 : vector<512xf32> to vector<512x1xf32>
    %mul3A_11 = arith.constant 2.000000e+00 : f32
    %mul3A_12 = vector.broadcast %mul3A_11 : f32 to vector<512x2048xf32>
    %mul3A_13 = arith.mulf %mul3A_12, %dot_general3A_5 : vector<512x2048xf32>
    %sub3A = vector.broadcast %transpose3A : vector<1x2048xf32> to vector<512x2048xf32>
    %sub3A_14 = arith.subf %sub3A, %mul3A_13 : vector<512x2048xf32>
    %add3A = vector.broadcast %broadcast_in_dim3A_10 : vector<512x1xf32> to vector<512x2048xf32>
    %add3A_15 = arith.addf %sub3A_14, %add3A : vector<512x2048xf32>
    %reduce_min3A = arith.constant dense<0x7F800000> : vector<2048xf32>
    %reduce_min3A_16 = vector.multi_reduction <minimumf>, %add3A_15, %reduce_min3A [0] : vector<512x2048xf32> to vector<2048xf32>
    %broadcast_in_dim3A_17 = vector.shape_cast %reduce_min3A_16 : vector<2048xf32> to vector<1x2048xf32>
    %iota3A = tpu.iota {dimensions = array<i32: 0>} : vector<512x2048xi32>
    %eq3A = vector.broadcast %broadcast_in_dim3A_17 : vector<1x2048xf32> to vector<512x2048xf32>
    %eq3A_18 = arith.cmpf oeq, %add3A_15, %eq3A : vector<512x2048xf32>
    %jit3A = arith.constant 512 : i32
    %broadcast_in_dim3A_19 = vector.broadcast %jit3A : i32 to vector<512x2048xi32>
    %select_n3A = arith.select %eq3A_18, %iota3A, %broadcast_in_dim3A_19 : vector<512x2048xi1>, vector<512x2048xi32>
    %reduce_min3A_20 = arith.constant dense<2147483647> : vector<2048xi32>
    %reduce_min3A_21 = vector.multi_reduction <minsi>, %select_n3A, %reduce_min3A_20 [0] : vector<512x2048xi32> to vector<2048xi32>
    %reshape3A = vector.shape_cast %reduce_min3A_21 : vector<2048xi32> to vector<1x1x2048xi32>
    %swap3A = arith.constant 0 : index
    %swap3A_22 = arith.constant 0 : index
    %swap3A_23 = arith.constant 0 : index
    %swap3A_24 = vector.load %arg3[%swap3A, %swap3A_22, %swap3A_23] : memref<1x1x2048xi32, #tpu.memory_space<vmem>>, vector<1x1x2048xi32>
    tpu.vector_store %arg3[%swap3A, %swap3A_22, %swap3A_23], %reshape3A {strides = array<i32>} : memref<1x1x2048xi32, #tpu.memory_space<vmem>>, vector<1x1x2048xi32>,
    %eq3A_25 = arith.constant 0 : i32
    %eq3A_26 = arith.cmpi eq, %arg0, %eq3A_25 : i32
    %convert_element_type3A = arith.extui %eq3A_26 : i1 to i32
    %cond3A = arith.constant 0 : i32
    %cond3A_27 = arith.cmpi ne, %convert_element_type3A, %cond3A : i32
    scf.if %cond3A_27 {
      %broadcast_in_dim3A_41 = arith.constant 0.000000e+00 : f32
      %broadcast_in_dim3A_42 = vector.broadcast %broadcast_in_dim3A_41 : f32 to vector<1x1xf32>
      %swap3A_43 = arith.constant 0 : index
      %swap3A_44 = arith.constant 0 : index
      %swap3A_45 = vector.load %arg4[%swap3A_43, %swap3A_44] : memref<1x1xf32, #tpu.memory_space<vmem>>, vector<1x1xf32>
      tpu.vector_store %arg4[%swap3A_43, %swap3A_44], %broadcast_in_dim3A_42 {strides = array<i32>} : memref<1x1xf32, #tpu.memory_space<vmem>>, vector<1x1xf32>,
    } else {
    }
    %get3A_28 = arith.constant 0 : index
    %get3A_29 = arith.constant 0 : index
    %get3A_30 = vector.load %arg4[%get3A_28, %get3A_29] : memref<1x1xf32, #tpu.memory_space<vmem>>, vector<1x1xf32>
    %reduce_sum3A_31 = vector.shape_cast %broadcast_in_dim3A_17 : vector<1x2048xf32> to vector<1x1x2048xf32>
    %reduce_sum3A_32 = arith.constant dense<0.000000e+00> : vector<1xf32>
    %reduce_sum3A_33 = vector.multi_reduction <add>, %reduce_sum3A_31, %reduce_sum3A_32 [1, 2] : vector<1x1x2048xf32> to vector<1xf32>
    %reduce_sum3A_34 = vector.shape_cast %reduce_sum3A_33 : vector<1xf32> to vector<1x1x1xf32>
    %reduce_sum3A_35 = vector.extract %reduce_sum3A_34[0, 0, 0] : f32 from vector<1x1x1xf32>
    %add3A_36 = vector.broadcast %reduce_sum3A_35 : f32 to vector<1x1xf32>
    %add3A_37 = arith.addf %get3A_30, %add3A_36 : vector<1x1xf32>
    %swap3A_38 = arith.constant 0 : index
    %swap3A_39 = arith.constant 0 : index
    %swap3A_40 = vector.load %arg4[%swap3A_38, %swap3A_39] : memref<1x1xf32, #tpu.memory_space<vmem>>, vector<1x1xf32>
    tpu.vector_store %arg4[%swap3A_38, %swap3A_39], %add3A_37 {strides = array<i32>} : memref<1x1xf32, #tpu.memory_space<vmem>>, vector<1x1xf32>,
    return
  }
  func.func @transform_0(%arg0: i32) -> (i32, i32) {
    %c0_i32 = arith.constant 0 : i32
    %c0_i32_0 = arith.constant 0 : i32
    return %arg0, %c0_i32 : i32, i32
  }
  func.func @transform_1(%arg0: i32) -> (i32, i32) {
    %c0_i32 = arith.constant 0 : i32
    %c0_i32_0 = arith.constant 0 : i32
    %c0_i32_1 = arith.constant 0 : i32
    return %c0_i32, %c0_i32_0 : i32, i32
  }
  func.func @transform_2(%arg0: i32) -> (i32, i32, i32) {
    %c0_i32 = arith.constant 0 : i32
    %c0_i32_0 = arith.constant 0 : i32
    %c0_i32_1 = arith.constant 0 : i32
    return %arg0, %c0_i32, %c0_i32_0 : i32, i32, i32
  }
  func.func @transform_3(%arg0: i32) -> (i32, i32) {
    %c0_i32 = arith.constant 0 : i32
    %c0_i32_0 = arith.constant 0 : i32
    %c0_i32_1 = arith.constant 0 : i32
    return %c0_i32, %c0_i32_0 : i32, i32
  }
}

</mosaic_0001>

<sc_bundles>
// kernel: kernel.4.cloned.1.call-start
scs
__scs_entry_jumppad:
0x0: {  	(pc) =	sbr.rel $0x88, $3  }
0x1: {  	(tag) =	ssettag $0x0;
	lr =	simm.s32 $0x1  }
0x2: {  	[smem:$0x3F9F] =	sst lr;
	_ =	strace $0xD0000000  }
0x3: {  	_ = 	snop  }
0x4: {  	_ = 	snop  }
0x5: {  	_ = 	snop  }
0x6: {  	_ = 	snop  }
0x7: {  	_ = 	snop  }
__scs_overlays_trampoline_lowered:
0x8: {  	[smem:$0x3FAE] =	sst s0  }
0x9: {  	[smem:$0x3FAF] =	sst s1  }
0xa: {  	[smem:$0x3FB0] =	sst s2  }
0xb: {  	[smem:$0x3FB1] =	sst s3  }
0xc: {  	[smem:$0x3FB2] =	sst s4  }
0xd: {  	[smem:$0x3FB3] =	sst s5  }
0xe: {  	[smem:$0x3FB4] =	sst s6  }
0xf: {  	[smem:$0x3FB5] =	sst s7  }
0x10: {  	[smem:$0x3FB6] =	sst s8  }
0x11: {  	[smem:$0x3FB7] =	sst s9;
	s0 =	simm.s32 @!p0 $0x0  }
0x12: {  	s1 =	sld [smem:$0x3F9D];
	s0 =	simm.s32 @p0 $0x1  }
0x13: {  	[smem:$0x3FB8] =	sst s0;
	s0 =	simm.s32 @!p1 $0x0  }
0x14: {  	s2 =	sld [smem:$0x3F9C];
	s0 =	simm.s32 @p1 $0x1  }
0x15: {  	[smem:$0x3FB9] =	sst s0;
	s0 =	simm.s32 @!p2 $0x0  }
0x16: {  	s3 =	sld [smem:$0x3FDB];
	s0 =	simm.s32 @p2 $0x1  }
0x17: {  	s4 =	simm.s32 $0x1BF5;
	[smem:$0x3FBB] =	sst s0  }
0x18: {  	s0 =	sld [smem:$0x3F9E];
	_ =	swait.ge [sflag:s4], $0x0  }
0x19: {  	s7 =	sld [smem:$0x3F9F]  }
0x1a: {  	s8 =	sadd.s32 $0xFFFFE003, lr  }
0x1b: {  	s9 =	sadd.s32 $0xFFFFFEF7, lr;
	s5 =	simm.s32 $0xFFFFFFFF;
	p2 =	slt.u32 s8, $0xFFFFF086  }
0x1c: {  	p1 =	slt.u32 s9, $0xF7A;
	s5 =	simm.s32 @!p2 $0x0  }
0x1d: {  	s5 =	simm.s32 @p1 $0x1;
	p0 =	seq.s32 s7, s2  }
0x1e: {  	s7 =	smul.u32 @!p0 $0xF7A, s2;
	p2 =	seq.s32 @!p0 s5, $0x0  }
0x1f: {  	s9 =	smul.u32 $0xF7A, s1;
	s8 =	simm.s32 @!p0 $0x1BF5;
	p2 =	por !p2, p0  }
0x20: {  	[sflag:s8] =	ssyncset.s32 @!p0 $0xFFFFF086;
	s6 =	sadd.s32 @!p0 s3, s7;
	s7 =	simm.s32 @!p0 $0x108  }
0x21: {  	s3 =	sadd.s32 s3, s9;
	s6 =	sadd.s32 @!p0 $0x88, s6;
	s7 =	simm.s32 @p2 $0x1082  }
0x22: {  	[simem:s7], [sflag:s8] =	dma.local @!p0 [hbm:s6], $0xF7A  }
0x23: {  	s9 =	sor.u32 $0xD0000000, s2;
	s6 =	simm.s32 $0x108;
	_ =	swait.ge @!p0 [sflag:s8], $0x0  }
0x24: {  	s3 =	sadd.s32 $0x88, s3;
	s6 =	simm.s32 @!p1 $0x1082;
	[sflag:s4] =	ssyncset.s32 $0xFFFFF086  }
0x25: {  	[simem:s6], [sflag:s4] =	dma.local [hbm:s3], $0xF7A  }
0x26: {  	[smem:$0x3F9F] =	sst s1;
	(tag) =	ssettag s2;
	_ =	strace s9  }
0x27: {  	s1 =	sld [smem:$0x3FAF]  }
0x28: {  	s2 =	sld [smem:$0x3FB0]  }
0x29: {  	s4 =	sld [smem:$0x3FB2]  }
0x2a: {  	p0 =	seq.s32 s5, $0x0;
	s5 =	sld [smem:$0x3FB3]  }
0x2b: {  	s6 =	sld [smem:$0x3FB4]  }
0x2c: {  	s7 =	sld [smem:$0x3FB5]  }
0x2d: {  	s3 =	simm.s32 $0x108;
	s8 =	sld [smem:$0x3FB6]  }
0x2e: {  	s3 =	simm.s32 @!p0 $0x1082;
	s9 =	sld [smem:$0x3FB7]  }
0x2f: {  	lr =	sadd.s32 s0, s3;
	s0 =	sld [smem:$0x3FAE]  }
0x30: {  	s3 =	sld [smem:$0x3FB1]  }
0x31: {  	[smem:$0x3FBA] =	sst s10  }
0x32: {  	s10 =	sld [smem:$0x3FB8];
	_ =	sdelay $0x3  }
0x33: {  	p0 =	seq.s32 s10, $0x1;
	s10 =	sld [smem:$0x3FBA];
	_ =	sdelay $0x3  }
0x34: {  	[smem:$0x3FBA] =	sst s10  }
0x35: {  	s10 =	sld [smem:$0x3FB9];
	_ =	sdelay $0x3  }
0x36: {  	p1 =	seq.s32 s10, $0x1;
	s10 =	sld [smem:$0x3FBA];
	_ =	sdelay $0x3  }
0x37: {  	[smem:$0x3FBA] =	sst s10  }
0x38: {  	s10 =	sld [smem:$0x3FBB]  }
0x39: {  	_ = 	snop;
	(pc) =	sbr.ind lr, $3  }
0x3a: {  	_ = 	snop  }
0x3b: {  	_ = 	snop  }
0x3c: {  	p2 =	seq.s32 s10, $0x1;
	s10 =	sld [smem:$0x3FBA]  }
0x3d: {  	_ =	shalt  }
0x3e: {  	_ =	shalt  }
0x3f: {  	_ =	shalt  }
0x40: {  	_ =	shalt  }
0x41: {  	_ =	shalt  }
0x42: {  	_ =	shalt  }
0x43: {  	_ =	shalt  }
0x44: {  	_ =	shalt  }
0x45: {  	_ =	shalt  }
0x46: {  	_ =	shalt  }
0x47: {  	_ =	shalt  }
0x48: {  	_ =	shalt  }
0x49: {  	_ =	shalt  }
0x4a: {  	_ =	shalt  }
0x4b: {  	_ =	shalt  }
0x4c: {  	_ =	shalt  }
0x4d: {  	_ =	shalt  }
0x4e: {  	_ =	shalt  }
0x4f: {  	_ =	shalt  }
0x50: {  	_ =	shalt  }
0x51: {  	_ =	shalt  }
0x52: {  	_ =	shalt  }
0x53: {  	_ =	shalt  }
0x54: {  	_ =	shalt  }
0x55: {  	_ =	shalt  }
0x56: {  	_ =	shalt  }
0x57: {  	_ =	shalt  }
0x58: {  	_ =	shalt  }
0x59: {  	_ =	shalt  }
0x5a: {  	_ =	shalt  }
0x5b: {  	_ =	shalt  }
0x5c: {  	_ =	shalt  }
0x5d: {  	_ =	shalt  }
0x5e: {  	_ =	shalt  }
0x5f: {  	_ =	shalt  }
0x60: {  	_ =	shalt  }
0x61: {  	_ =	shalt  }
0x62: {  	_ =	shalt  }
0x63: {  	_ =	shalt  }
0x64: {  	_ =	shalt  }
0x65: {  	_ =	shalt  }
0x66: {  	_ =	shalt  }
0x67: {  	_ =	shalt  }
0x68: {  	_ =	shalt  }
0x69: {  	_ =	shalt  }
0x6a: {  	_ =	shalt  }
0x6b: {  	_ =	shalt  }
0x6c: {  	_ =	shalt  }
0x6d: {  	_ =	shalt  }
0x6e: {  	_ =	shalt  }
0x6f: {  	_ =	shalt  }
0x70: {  	_ =	shalt  }
0x71: {  	_ =	shalt  }
0x72: {  	_ =	shalt  }
0x73: {  	_ =	shalt  }
0x74: {  	_ =	shalt  }
0x75: {  	_ =	shalt  }
0x76: {  	_ =	shalt  }
0x77: {  	_ =	shalt  }
0x78: {  	_ =	shalt  }
0x79: {  	_ =	shalt  }
0x7a: {  	_ =	shalt  }
0x7b: {  	_ =	shalt  }
0x7c: {  	_ =	shalt  }
0x7d: {  	_ =	shalt  }
0x7e: {  	_ =	shalt  }
0x7f: {  	_ =	shalt  }
0x80: {  	_ =	shalt  }
0x81: {  	_ =	shalt  }
0x82: {  	_ =	shalt  }
0x83: {  	_ =	shalt  }
0x84: {  	_ =	shalt  }
0x85: {  	_ =	shalt  }
0x86: {  	_ =	shalt  }
0x87: {  	_ =	shalt  }
.Lfunc_end0:
.L_simem_size_0:
called_computation_lowered:
.L_overlay_start_0:
0x88: {  	s2 =	sld [smem:$0x3FD9]  }
0x89: {  	s3 =	sld [smem:$0x3FFE];
	_ =	sdelay $0x1  }
0x8a: {  	s1 =	srdreg.scid  }
0x8b: {  	s0 =	sand.u32 $0x1, s1  }
0x8c: {  	s14 =	sshll.u32 s0, $0xA;
	s2 =	sadd.s32 s3, s2  }
0x8d: {  	s2 =	sadd.s32 s2, s14  }
0x8e: {  	[smem:$0x3FC6] =	sst s2  }
0x8f: {  	_ = 	snop  }
0x90: {  	s2 =	sld [smem:$0x3FD0];
	_ =	sdelay $0x2  }
0x91: {  	s15 =	simm.s32 $0xA;
	s4 =	simm.s32 $0x10  }
0x92: {  	[smem:s4], [sflag:s15] =	dma.local [hbm:s2], $0x1  }
0x93: {  	_ =	swait.eq [sflag:s15], $0x1  }
0x94: {  	[sflag:s15] =	ssyncset.done $0x0  }
0x95: {  	s16 =	sld [smem:$0x10];
	[sflag:s15] =	ssyncadd.s32 $0xFFFFFFFF  }
0x96: {  	s17 =	sld [smem:$0x11];
	(tm) =	ssettm $0x1  }
0x97: {  	s18 =	sld [smem:$0x3FFB];
	_ =	sdelay $0x3  }
0x98: {  	_ =	strace s18  }
0x99: {  	s4 =	sld [smem:$0x3FFC];
	_ =	sdelay $0x3  }
0x9a: {  	_ =	strace s4  }
0x9b: {  	s4 =	sld [smem:$0x3FFD];
	_ =	sdelay $0x3  }
0x9c: {  	_ =	strace s4  }
0x9d: {  	_ =	strace $0x8FFFFFFF  }
0x9e: {  	s19 =	sld [smem:$0x3FDB];
	_ =	sdelay $0x1  }
0x9f: {  	s5 =	simm.s32 $_scs_section_size  }
0xa0: {  	s6 =	simm.s32 $_size__tile_overlayer_lowered;
	s7 =	simm.s32 $_tile_overlayer_lowered  }
0xa1: {  	s22 =	simm.s32 $0x1BFF;
	s21 =	sshll.u32 s7, $0x1;
	s4 =	sadd.s32 s5, s19  }
0xa2: {  	s8 =	simm.s32 $0x0;
	s20 =	sshll.u32 s6, $0x1;
	s6 =	sadd.s32 s21, s4  }
0xa3: {  	[timem:s8], [sflag:s22] =	dma.local [hbm:s6], s20  }
0xa4: {  	_ =	swait.ge [sflag:s22], s20  }
0xa5: {  	s5 =	ssub.s32 $0x0, s20;
	[sflag:s22] =	ssyncset.done $0x0  }
0xa6: {  	[sflag:s22] =	ssyncadd.s32 s5;
	_ =	sdelay $0x1  }
0xa7: {  	s23 =	simm.s32 $0x1B8B  }
0xa8: {  	_ =	swait.ge [sflag:s23], $0x1  }
0xa9: {  	[sflag:s23] =	ssyncset.done $0x0  }
0xaa: {  	s25 =	simm.s32 $0x1B8E;
	s24 =	sld [smem:$0x3FFE];
	[sflag:s23] =	ssyncadd.s32 $0xFFFFFFFF  }
0xab: {  	s26 =	simm.s32 $execute0_lowered;
	[smem:$0x3FD2] =	sst s25  }
0xac: {  	s6 =	sshll.u32 s26, $0x1;
	_ =	strace $0x80000046;
	[dreg:$0x1] =	wrdreg $0xFFFFFFFF  }
0xad: {  	s28 =	simm.s32 $_size_execute0_lowered;
	s4 =	sadd.s32 s4, s6;
	[dreg:$0x0] =	wrdreg $0x0  }
0xae: {  	s6 =	sshll.u32 s28, $0x1;
	[dreg:$0x2] =	wrdreg s4  }
0xaf: {  	[dreg:$0x3] =	wrdreg s6  }
0xb0: {  	[dreg:$0x4] =	wrdreg $0xC0  }
0xb1: {  	_ =	task [dreg:s8], $0x5FFFF  }
0xb2: {  	[dreg:$0x1] =	wrdreg $0xFFFFFFFF  }
0xb3: {  	[dreg:$0x0] =	wrdreg $0x60  }
0xb4: {  	[dreg:$0x2] =	wrdreg s16  }
0xb5: {  	[dreg:$0x3] =	wrdreg s17  }
0xb6: {  	[dreg:$0x4] =	wrdreg s24  }
0xb7: {  	[dreg:$0x5] =	wrdreg $0x9  }
0xb8: {  	_ =	task.clear_ibuf [dreg:s8], $0x6FFFF;
	_ =	strace $0x90000046  }
0xb9: {  	s29 =	simm.s32 $0x9;
	_ =	strace $0x80000048  }
0xba: {  	_ =	swait.ge [sflag:s29], $0x1  }
0xbb: {  	[sflag:s29] =	ssyncadd.s32 $0xFFFFFFFF  }
0xbc: {  	_ =	strace $0x90000048  }
0xbd: {  	_ =	sfence  }
0xbe: {  	s30 =	sld [smem:$0x0];
	_ =	sdelay $0x2  }
0xbf: {  	s31 =	sshll.u32 s1, $0xD;
	s1 =	sshrl.u32 s1, $0x2  }
0xc0: {  	s3 =	sand.u32 $0x4000, s31;
	s1 =	sadd.s32 s1, s30  }
0xc1: {  	s0 =	sor.u32 s3, s0;
	s1 =	sshll.u32 s1, $0x11  }
0xc2: {  	s0 =	sor.u32 s1, s0  }
0xc3: {  	s0 =	sadd.s32 $0x8F2B, s0  }
0xc4: {  	[sflag:s0] =	ssyncadd.remote.s32 $0x1  }
0xc5: {  	_ =	sfence.sel $0xFFFF  }
0xc6: {  	[dreg:$0x0] =	wrdreg $0xFFFFFFFF;
	(pc) =	sbr.abs _section_cstart, $3  }
0xc7: {  	[dreg:$0x1] =	wrdreg $0xFFFFFFFF  }
0xc8: {  	_ =	task.clear_ibuf [dreg:s8], $0x2FFFF;
	_ =	strace $0x9FFFFFFF  }
0xc9: {  	(tm) =	ssettm $0x7FFFFFFF  }
tec
execute0_lowered:
.L_overlay_start_1:
0x0: {  	(tag) =	ssettag $0x1  }
0x1: {  	s1 =	rddreg [dreg:$0x0]  }
0x2: {  	s2 =	rddreg [dreg:$0x1]  }
0x3: {  	s4 =	rddreg [dreg:$0x2]  }
0x4: {  	s0 =	rddreg [dreg:$0x3]  }
0x5: {  	s3 =	simm.s32 $0x0;
	s5 =	srdreg.scid;
	s9 =	simm.s32 $0x4000  }
0x6: {  	s10 =	simm.s32 $0x4100;
	s11 =	simm.s32 $0xC100;
	s12 =	simm.s32 $0x1  }
0x7: {  	s13 =	simm.s32 $0x2;
	s14 =	simm.s32 $0x0;
	s6 =	sand.u32 $0x1, s5  }
0x8: {  	[smem:$0x7FF] =	sst s3;
	s5 =	sadd.s32 $0x600, s4;
	s7 =	ssub.s32 $0x2, s6  }
0x9: {  	s4 =	stileid.u32;
	_ =	strace $0x80000047;
	s8 =	sshrl.u32 s7, $0x1  }
0xa: {  	v0 =	vlaneseq.u32;
	s31 =	sshll.u32 s4, $0xE;
	s6 =	sshll.u32 s6, $0xD;
	s7 =	ssub.s32 s7, s8  }
0xb: {  	v0 =	vmul.u32 $0x80, v0;
	s6 =	sor.u32 s6, s31;
	s8 =	simm.s32 $0x3;
	s7 =	smax.u32 s7, $0x1  }
.LBB2_1:
0xc: {  	[tilespmem:s3], [sflag:$0x3] =	stream.linear.gather [hbm4b:s1+s3], $0x4000, $0x38;
	[tilespmem:$0x14100] =	vst v63  }
0xd: {  	_ =	swait.ge [sflag:s8], $0x4000  }
0xe: {  	[sflag:s8] =	ssyncset.done $0x0  }
0xf: {  	s15 =	simm.s32 $0x0;
	[sflag:s8] =	ssyncadd.s32 $0xFFFFC000  }
.LBB2_2:
0x10: {  	s16 =	sshll.u32 s15, $0x9  }
0x11: {  	s16 =	sor.u32 s6, s16  }
0x12: {  	s17 =	sshrl.u32 s16, $0x3  }
0x13: {  	s17 =	sadd.s32 s2, s17  }
0x14: {  	[tilespmem:s9], [sflag:$0x3] =	stream.linear.gather [hbm4b:s17+s3], $0x100, $0x38;
	[tilespmem:$0x14100] =	vst v63  }
0x15: {  	_ =	swait.ge [sflag:s8], $0x100  }
0x16: {  	p0 =	seq.s32 s15, $0x0;
	[sflag:s8] =	ssyncset.done $0x0  }
0x17: {  	s17 =	simm.s32 @!p0 $0x1;
	[sflag:s8] =	ssyncadd.s32 $0xFFFFFF00  }
0x18: {  	_ =	swait.ge @!p0 [sflag:s17], $0x8000  }
0x19: {  	s18 =	simm.s32 $0x0;
	[sflag:s17] =	ssyncset.done @!p0 $0x0  }
0x1a: {  	s19 =	simm.s32 $0x4020;
	[sflag:s17] =	ssyncadd.s32 @!p0 $0xFFFF8000;
	s17 =	simm.s32 $0xFFFFFFFC  }
.LBB2_3:
0x1b: {  	v1 =	vld [tilespmem:s19+$0xFFFFFFE0];
	_ =	sdelay $0x4  }
0x1c: {  	v2 =	vshll.u32 v1, $0x5  }
0x1d: {  	v1 =	vor.u32 $0x1, v2  }
0x1e: {  	v3 =	vor.u32 $0x2, v2  }
0x1f: {  	v4 =	vor.u32 $0x3, v2  }
0x20: {  	v5 =	vor.u32 $0x4, v2  }
0x21: {  	v8 =	vmov s18;
	v7 =	vor.u32 $0x5, v2;
	v6 =	vld.idx.msk [tilespmem:v2+s3+$0x0], $0xffff  }
0x22: {  	v10 =	vor.u32 $0x6, v2;
	v9 =	vld.idx.msk [tilespmem:v1+s3+$0x0], $0xffff;
	v1 =	vshll.u32 v8, $0x7  }
0x23: {  	v27 =	vor.u32 $0x7, v2;
	v3 =	vld.idx.msk [tilespmem:v3+s3+$0x0], $0xffff;
	v1 =	vor.u32 v0, v1  }
0x24: {  	v4 =	vld.idx.msk [tilespmem:v4+s3+$0x0], $0xffff;
	v11 =	vor.u32 $0x1, v1  }
0x25: {  	v5 =	vld.idx.msk [tilespmem:v5+s3+$0x0], $0xffff;
	v12 =	vor.u32 $0x2, v1  }
0x26: {  	v7 =	vld.idx.msk [tilespmem:v7+s3+$0x0], $0xffff;
	v13 =	vor.u32 $0x3, v1  }
0x27: {  	v10 =	vld.idx.msk [tilespmem:v10+s3+$0x0], $0xffff;
	v14 =	vor.u32 $0x4, v1  }
0x28: {  	v8 =	vld.idx.msk [tilespmem:v27+s3+$0x0], $0xffff;
	v28 =	vor.u32 $0x5, v1;
	[tilespmem:v1+s10+$0x0] =	vst.idx.msk $0xffff, v6  }
0x29: {  	v29 =	vor.u32 $0x6, v1;
	[tilespmem:v11+s10+$0x0] =	vst.idx.msk $0xffff, v9  }
0x2a: {  	[tilespmem:v12+s10+$0x0] =	vst.idx.msk $0xffff, v3;
	v3 =	vor.u32 $0x7, v1  }
0x2b: {  	v30 =	vor.u32 $0x8, v2;
	[tilespmem:v13+s10+$0x0] =	vst.idx.msk $0xffff, v4  }
0x2c: {  	v31 =	vor.u32 $0x9, v2;
	[tilespmem:v14+s10+$0x0] =	vst.idx.msk $0xffff, v5  }
0x2d: {  	v32 =	vor.u32 $0xA, v2;
	[tilespmem:v28+s10+$0x0] =	vst.idx.msk $0xffff, v7  }
0x2e: {  	v34 =	vld [tilespmem:s19+$0xFFFFFFF0];
	v33 =	vor.u32 $0xB, v2;
	[tilespmem:v29+s10+$0x0] =	vst.idx.msk $0xffff, v10  }
0x2f: {  	[tilespmem:v3+s10+$0x0] =	vst.idx.msk $0xffff, v8;
	v3 =	vor.u32 $0xC, v2  }
0x30: {  	v35 =	vor.u32 $0xD, v2;
	v8 =	vld.idx.msk [tilespmem:v30+s3+$0x0], $0xffff  }
0x31: {  	v36 =	vor.u32 $0xE, v2;
	v5 =	vld.idx.msk [tilespmem:v31+s3+$0x0], $0xffff  }
0x32: {  	v37 =	vor.u32 $0xF, v2;
	v6 =	vld.idx.msk [tilespmem:v32+s3+$0x0], $0xffff  }
0x33: {  	v38 =	vor.u32 $0x8, v1;
	v4 =	vshll.u32 v34, $0x5;
	v7 =	vld.idx.msk [tilespmem:v33+s3+$0x0], $0xffff  }
0x34: {  	v40 =	vor.u32 $0x1, v4;
	v39 =	vld.idx.msk [tilespmem:v3+s3+$0x0], $0xffff;
	v3 =	vor.u32 $0x9, v1  }
0x35: {  	v15 =	vor.u32 $0xA, v1;
	v16 =	vor.u32 $0x2, v4;
	v10 =	vld.idx.msk [tilespmem:v35+s3+$0x0], $0xffff  }
0x36: {  	v17 =	vor.u32 $0xB, v1;
	v18 =	vor.u32 $0x3, v4;
	v11 =	vld.idx.msk [tilespmem:v36+s3+$0x0], $0xffff  }
0x37: {  	v19 =	vor.u32 $0xC, v1;
	v20 =	vor.u32 $0x4, v4;
	v12 =	vld.idx.msk [tilespmem:v37+s3+$0x0], $0xffff  }
0x38: {  	s20 =	sadd.s32 $0x10, s18;
	v41 =	vor.u32 $0xD, v1;
	v21 =	vor.u32 $0x5, v4;
	v42 =	vld.idx.msk [tilespmem:v4+s3+$0x0], $0xffff;
	[tilespmem:v38+s10+$0x0] =	vst.idx.msk $0xffff, v8  }
0x39: {  	v43 =	vor.u32 $0xE, v1;
	v22 =	vor.u32 $0x6, v4;
	v14 =	vld.idx.msk [tilespmem:v40+s3+$0x0], $0xffff;
	[tilespmem:v3+s10+$0x0] =	vst.idx.msk $0xffff, v5;
	v3 =	vmov s20  }
0x3a: {  	v44 =	vor.u32 $0xF, v1;
	v46 =	vor.u32 $0x7, v4;
	v45 =	vld.idx.msk [tilespmem:v16+s3+$0x0], $0xffff;
	[tilespmem:v15+s10+$0x0] =	vst.idx.msk $0xffff, v6;
	v3 =	vshll.u32 v3, $0x7  }
0x3b: {  	v47 =	vor.u32 $0x10, v2;
	v48 =	vld.idx.msk [tilespmem:v18+s3+$0x0], $0xffff;
	[tilespmem:v17+s10+$0x0] =	vst.idx.msk $0xffff, v7;
	v3 =	vor.u32 v0, v3  }
0x3c: {  	v49 =	vor.u32 $0x11, v2;
	v50 =	vld.idx.msk [tilespmem:v20+s3+$0x0], $0xffff;
	[tilespmem:v19+s10+$0x0] =	vst.idx.msk $0xffff, v39;
	v51 =	vor.u32 $0x1, v3  }
0x3d: {  	v52 =	vor.u32 $0x12, v2;
	v53 =	vld.idx.msk [tilespmem:v21+s3+$0x0], $0xffff;
	v54 =	vor.u32 $0x2, v3;
	[tilespmem:v41+s10+$0x0] =	vst.idx.msk $0xffff, v10  }
0x3e: {  	v55 =	vor.u32 $0x13, v2;
	v56 =	vld.idx.msk [tilespmem:v22+s3+$0x0], $0xffff;
	v57 =	vor.u32 $0x3, v3;
	[tilespmem:v43+s10+$0x0] =	vst.idx.msk $0xffff, v11  }
0x3f: {  	v58 =	vor.u32 $0x14, v2;
	v59 =	vld.idx.msk [tilespmem:v46+s3+$0x0], $0xffff;
	v60 =	vor.u32 $0x4, v3;
	[tilespmem:v44+s10+$0x0] =	vst.idx.msk $0xffff, v12  }
0x40: {  	v61 =	vor.u32 $0x15, v2;
	v62 =	vor.u32 $0x5, v3;
	v7 =	vld.idx.msk [tilespmem:v47+s3+$0x0], $0xffff;
	[tilespmem:v3+s10+$0x0] =	vst.idx.msk $0xffff, v42  }
0x41: {  	v23 =	vor.u32 $0x16, v2;
	v63 =	vor.u32 $0x6, v3;
	v9 =	vld.idx.msk [tilespmem:v49+s3+$0x0], $0xffff;
	[tilespmem:v51+s10+$0x0] =	vst.idx.msk $0xffff, v14  }
0x42: {  	v24 =	vor.u32 $0x17, v2;
	v25 =	vor.u32 $0x7, v3;
	v8 =	vld.idx.msk [tilespmem:v52+s3+$0x0], $0xffff;
	[tilespmem:v54+s10+$0x0] =	vst.idx.msk $0xffff, v45  }
0x43: {  	v26 =	vor.u32 $0x10, v1;
	v27 =	vor.u32 $0x8, v4;
	v5 =	vld.idx.msk [tilespmem:v55+s3+$0x0], $0xffff;
	[tilespmem:v57+s10+$0x0] =	vst.idx.msk $0xffff, v48  }
0x44: {  	v28 =	vor.u32 $0x11, v1;
	v29 =	vor.u32 $0x9, v4;
	v6 =	vld.idx.msk [tilespmem:v58+s3+$0x0], $0xffff;
	[tilespmem:v60+s10+$0x0] =	vst.idx.msk $0xffff, v50  }
0x45: {  	v31 =	vor.u32 $0x12, v1;
	v32 =	vor.u32 $0xA, v4;
	v30 =	vld.idx.msk [tilespmem:v61+s3+$0x0], $0xffff;
	[tilespmem:v62+s10+$0x0] =	vst.idx.msk $0xffff, v53  }
0x46: {  	v34 =	vor.u32 $0x13, v1;
	v35 =	vor.u32 $0xB, v4;
	v33 =	vld.idx.msk [tilespmem:v23+s3+$0x0], $0xffff;
	[tilespmem:v63+s10+$0x0] =	vst.idx.msk $0xffff, v56  }
0x47: {  	v37 =	vor.u32 $0x14, v1;
	v38 =	vor.u32 $0xC, v4;
	v36 =	vld.idx.msk [tilespmem:v24+s3+$0x0], $0xffff;
	[tilespmem:v25+s10+$0x0] =	vst.idx.msk $0xffff, v59  }
0x48: {  	v40 =	vor.u32 $0xD, v4;
	v39 =	vor.u32 $0x15, v1;
	[tilespmem:v26+s10+$0x0] =	vst.idx.msk $0xffff, v7;
	v15 =	vld.idx.msk [tilespmem:v27+s3+$0x0], $0xffff  }
0x49: {  	v41 =	vor.u32 $0x16, v1;
	v42 =	vor.u32 $0xE, v4;
	[tilespmem:v28+s10+$0x0] =	vst.idx.msk $0xffff, v9;
	v16 =	vld.idx.msk [tilespmem:v29+s3+$0x0], $0xffff  }
0x4a: {  	v43 =	vor.u32 $0x17, v1;
	v44 =	vor.u32 $0xF, v4;
	[tilespmem:v31+s10+$0x0] =	vst.idx.msk $0xffff, v8;
	v10 =	vld.idx.msk [tilespmem:v32+s3+$0x0], $0xffff  }
0x4b: {  	v46 =	vor.u32 $0x8, v3;
	v57 =	vor.u32 $0x18, v2;
	[tilespmem:v34+s10+$0x0] =	vst.idx.msk $0xffff, v5;
	v45 =	vld.idx.msk [tilespmem:v35+s3+$0x0], $0xffff  }
0x4c: {  	v48 =	vor.u32 $0x9, v3;
	v26 =	vor.u32 $0x19, v2;
	v47 =	vld.idx.msk [tilespmem:v38+s3+$0x0], $0xffff;
	[tilespmem:v37+s10+$0x0] =	vst.idx.msk $0xffff, v6  }
0x4d: {  	v50 =	vor.u32 $0xA, v3;
	v49 =	vld.idx.msk [tilespmem:v40+s3+$0x0], $0xffff;
	v32 =	vor.u32 $0x1C, v2;
	[tilespmem:v39+s10+$0x0] =	vst.idx.msk $0xffff, v30  }
0x4e: {  	v52 =	vor.u32 $0xB, v3;
	v51 =	vld.idx.msk [tilespmem:v42+s3+$0x0], $0xffff;
	v34 =	vor.u32 $0x1D, v2;
	[tilespmem:v41+s10+$0x0] =	vst.idx.msk $0xffff, v33  }
0x4f: {  	v54 =	vor.u32 $0xC, v3;
	v28 =	vor.u32 $0x1A, v2;
	v53 =	vld.idx.msk [tilespmem:v44+s3+$0x0], $0xffff;
	[tilespmem:v43+s10+$0x0] =	vst.idx.msk $0xffff, v36  }
0x50: {  	v55 =	vor.u32 $0xD, v3;
	v30 =	vor.u32 $0x1B, v2;
	[tilespmem:v46+s10+$0x0] =	vst.idx.msk $0xffff, v15;
	v63 =	vld.idx.msk [tilespmem:v57+s3+$0x0], $0xffff  }
0x51: {  	v56 =	vor.u32 $0xE, v3;
	v14 =	vld.idx.msk [tilespmem:v26+s3+$0x0], $0xffff;
	[tilespmem:v48+s10+$0x0] =	vst.idx.msk $0xffff, v16  }
0x52: {  	v58 =	vor.u32 $0xF, v3;
	v36 =	vor.u32 $0x1E, v2;
	v2 =	vor.u32 $0x1F, v2;
	v41 =	vld.idx.msk [tilespmem:v32+s3+$0x0], $0xffff;
	[tilespmem:v50+s10+$0x0] =	vst.idx.msk $0xffff, v10  }
0x53: {  	v59 =	vor.u32 $0x10, v4;
	v43 =	vld.idx.msk [tilespmem:v34+s3+$0x0], $0xffff;
	[tilespmem:v52+s10+$0x0] =	vst.idx.msk $0xffff, v45  }
0x54: {  	v60 =	vor.u32 $0x11, v4;
	v16 =	vld.idx.msk [tilespmem:v28+s3+$0x0], $0xffff;
	[tilespmem:v54+s10+$0x0] =	vst.idx.msk $0xffff, v47  }
0x55: {  	v61 =	vor.u32 $0x12, v4;
	v39 =	vld.idx.msk [tilespmem:v30+s3+$0x0], $0xffff;
	[tilespmem:v55+s10+$0x0] =	vst.idx.msk $0xffff, v49  }
0x56: {  	v62 =	vor.u32 $0x13, v4;
	v52 =	vld [tilespmem:s19+$0x0];
	[tilespmem:v56+s10+$0x0] =	vst.idx.msk $0xffff, v51  }
0x57: {  	v22 =	vor.u32 $0x14, v4;
	v2 =	vld.idx.msk [tilespmem:v2+s3+$0x0], $0xffff;
	[tilespmem:v58+s10+$0x0] =	vst.idx.msk $0xffff, v53  }
0x58: {  	v23 =	vor.u32 $0x15, v4;
	v5 =	vld.idx.msk [tilespmem:v59+s3+$0x0], $0xffff  }
0x59: {  	v24 =	vor.u32 $0x16, v4;
	v6 =	vld.idx.msk [tilespmem:v60+s3+$0x0], $0xffff  }
0x5a: {  	v25 =	vor.u32 $0x17, v4;
	v27 =	vor.u32 $0x10, v3;
	v7 =	vld.idx.msk [tilespmem:v61+s3+$0x0], $0xffff  }
0x5b: {  	v44 =	vor.u32 $0x18, v1;
	v9 =	vld.idx.msk [tilespmem:v62+s3+$0x0], $0xffff  }
0x5c: {  	v29 =	vor.u32 $0x11, v3;
	v8 =	vld.idx.msk [tilespmem:v22+s3+$0x0], $0xffff  }
0x5d: {  	v46 =	vor.u32 $0x19, v1;
	v10 =	vld.idx.msk [tilespmem:v23+s3+$0x0], $0xffff  }
0x5e: {  	v31 =	vor.u32 $0x12, v3;
	v12 =	vld.idx.msk [tilespmem:v24+s3+$0x0], $0xffff  }
0x5f: {  	v48 =	vor.u32 $0x1A, v1;
	v13 =	vld.idx.msk [tilespmem:v25+s3+$0x0], $0xffff;
	[tilespmem:v27+s10+$0x0] =	vst.idx.msk $0xffff, v5  }
0x60: {  	v35 =	vor.u32 $0x14, v3;
	v33 =	vor.u32 $0x13, v3;
	v5 =	vld.idx.msk [tilespmem:v36+s3+$0x0], $0xffff;
	[tilespmem:v44+s10+$0x0] =	vst.idx.msk $0xffff, v63  }
0x61: {  	v57 =	vor.u32 $0x1E, v1;
	v50 =	vor.u32 $0x1B, v1;
	v55 =	vor.u32 $0x1D, v1;
	[tilespmem:v29+s10+$0x0] =	vst.idx.msk $0xffff, v6  }
0x62: {  	v53 =	vor.u32 $0x1C, v1;
	v58 =	vor.u32 $0x1F, v1;
	v1 =	vshll.u32 v52, $0x5;
	[tilespmem:v46+s10+$0x0] =	vst.idx.msk $0xffff, v14  }
0x63: {  	v62 =	vor.u32 $0x1, v1;
	[tilespmem:v31+s10+$0x0] =	vst.idx.msk $0xffff, v7  }
0x64: {  	v37 =	vor.u32 $0x15, v3;
	v30 =	vor.u32 $0x4, v1;
	[tilespmem:v48+s10+$0x0] =	vst.idx.msk $0xffff, v16  }
0x65: {  	v38 =	vor.u32 $0x16, v3;
	v25 =	vor.u32 $0x2, v1;
	[tilespmem:v33+s10+$0x0] =	vst.idx.msk $0xffff, v9  }
0x66: {  	v40 =	vor.u32 $0x17, v3;
	v28 =	vld [tilespmem:s19+$0x10];
	v27 =	vor.u32 $0x3, v1;
	[tilespmem:v50+s10+$0x0] =	vst.idx.msk $0xffff, v39  }
0x67: {  	v42 =	vor.u32 $0x18, v4;
	v32 =	vld.idx.msk [tilespmem:v1+s3+$0x0], $0xffff;
	[tilespmem:v35+s10+$0x0] =	vst.idx.msk $0xffff, v8  }
0x68: {  	v45 =	vor.u32 $0x19, v4;
	[tilespmem:v53+s10+$0x0] =	vst.idx.msk $0xffff, v41;
	v35 =	vld.idx.msk [tilespmem:v62+s3+$0x0], $0xffff  }
0x69: {  	v47 =	vor.u32 $0x1A, v4;
	v41 =	vld.idx.msk [tilespmem:v30+s3+$0x0], $0xffff;
	[tilespmem:v37+s10+$0x0] =	vst.idx.msk $0xffff, v10  }
0x6a: {  	v49 =	vor.u32 $0x1B, v4;
	[tilespmem:v38+s10+$0x0] =	vst.idx.msk $0xffff, v12;
	v38 =	vld.idx.msk [tilespmem:v25+s3+$0x0], $0xffff  }
0x6b: {  	v51 =	vor.u32 $0x1C, v4;
	[tilespmem:v40+s10+$0x0] =	vst.idx.msk $0xffff, v13;
	v40 =	vld.idx.msk [tilespmem:v27+s3+$0x0], $0xffff  }
0x6c: {  	v26 =	vor.u32 $0x1B, v3;
	v54 =	vor.u32 $0x1D, v4;
	v9 =	vld.idx.msk [tilespmem:v42+s3+$0x0], $0xffff  }
0x6d: {  	v34 =	vor.u32 $0x1E, v3;
	v56 =	vor.u32 $0x1E, v4;
	v4 =	vor.u32 $0x1F, v4;
	[tilespmem:v55+s10+$0x0] =	vst.idx.msk $0xffff, v43;
	v8 =	vld.idx.msk [tilespmem:v45+s3+$0x0], $0xffff  }
0x6e: {  	s30 =	sadd.s32 $0x20, s18;
	v59 =	vor.u32 $0x18, v3;
	v61 =	vor.u32 $0x19, v3;
	v24 =	vor.u32 $0x1A, v3;
	[tilespmem:v57+s10+$0x0] =	vst.idx.msk $0xffff, v5;
	v10 =	vld.idx.msk [tilespmem:v47+s3+$0x0], $0xffff  }
0x6f: {  	v36 =	vor.u32 $0x6, v1;
	v33 =	vor.u32 $0x5, v1;
	[tilespmem:v58+s10+$0x0] =	vst.idx.msk $0xffff, v2;
	v2 =	vmov s30;
	v6 =	vld.idx.msk [tilespmem:v49+s3+$0x0], $0xffff  }
0x70: {  	v29 =	vor.u32 $0x1C, v3;
	v31 =	vor.u32 $0x1D, v3;
	v7 =	vld.idx.msk [tilespmem:v51+s3+$0x0], $0xffff;
	v2 =	vshll.u32 v2, $0x7  }
0x71: {  	v39 =	vor.u32 $0x7, v1;
	v37 =	vor.u32 $0x1F, v3;
	v60 =	vld.idx.msk [tilespmem:v54+s3+$0x0], $0xffff;
	v3 =	vor.u32 v0, v2  }
0x72: {  	v63 =	vld.idx.msk [tilespmem:v56+s3+$0x0], $0xffff  }
0x73: {  	v4 =	vld.idx.msk [tilespmem:v4+s3+$0x0], $0xffff;
	v42 =	vor.u32 $0x1, v3  }
0x74: {  	v44 =	vld.idx.msk [tilespmem:v33+s3+$0x0], $0xffff;
	[tilespmem:v59+s10+$0x0] =	vst.idx.msk $0xffff, v9  }
0x75: {  	v47 =	vld.idx.msk [tilespmem:v36+s3+$0x0], $0xffff;
	v45 =	vor.u32 $0x2, v3;
	[tilespmem:v61+s10+$0x0] =	vst.idx.msk $0xffff, v8  }
0x76: {  	v50 =	vld.idx.msk [tilespmem:v39+s3+$0x0], $0xffff;
	[tilespmem:v3+s10+$0x0] =	vst.idx.msk $0xffff, v32  }
0x77: {  	v2 =	vshll.u32 v28, $0x5;
	[tilespmem:v24+s10+$0x0] =	vst.idx.msk $0xffff, v10  }
0x78: {  	v43 =	vor.u32 $0x1, v2;
	[tilespmem:v42+s10+$0x0] =	vst.idx.msk $0xffff, v35  }
0x79: {  	v46 =	vor.u32 $0x2, v2;
	[tilespmem:v26+s10+$0x0] =	vst.idx.msk $0xffff, v6  }
0x7a: {  	v48 =	vor.u32 $0x3, v3;
	v49 =	vor.u32 $0x3, v2;
	[tilespmem:v45+s10+$0x0] =	vst.idx.msk $0xffff, v38  }
0x7b: {  	v51 =	vor.u32 $0x4, v3;
	v54 =	vor.u32 $0x5, v2;
	[tilespmem:v29+s10+$0x0] =	vst.idx.msk $0xffff, v7  }
0x7c: {  	s31 =	sadd.s32 $0x30, s18;
	v52 =	vor.u32 $0x5, v3;
	v57 =	vor.u32 $0x6, v2;
	v53 =	vld.idx.msk [tilespmem:v2+s3+$0x0], $0xffff;
	[tilespmem:v31+s10+$0x0] =	vst.idx.msk $0xffff, v60  }
0x7d: {  	v56 =	vmov s31;
	v55 =	vor.u32 $0x6, v3;
	v59 =	vor.u32 $0x7, v2;
	v14 =	vld.idx.msk [tilespmem:v43+s3+$0x0], $0xffff;
	[tilespmem:v34+s10+$0x0] =	vst.idx.msk $0xffff, v63  }
0x7e: {  	v20 =	vor.u32 $0x4, v2;
	v58 =	vor.u32 $0x7, v3;
	v15 =	vld.idx.msk [tilespmem:v46+s3+$0x0], $0xffff;
	[tilespmem:v37+s10+$0x0] =	vst.idx.msk $0xffff, v4;
	v4 =	vshll.u32 v56, $0x7  }
0x7f: {  	v62 =	vor.u32 $0x9, v1;
	v61 =	vld.idx.msk [tilespmem:v49+s3+$0x0], $0xffff;
	[tilespmem:v48+s10+$0x0] =	vst.idx.msk $0xffff, v40;
	v4 =	vor.u32 v0, v4  }
0x80: {  	v25 =	vor.u32 $0xA, v1;
	v26 =	vld.idx.msk [tilespmem:v54+s3+$0x0], $0xffff;
	[tilespmem:v51+s10+$0x0] =	vst.idx.msk $0xffff, v41;
	v24 =	vor.u32 $0x1, v4  }
0x81: {  	v28 =	vor.u32 $0xB, v1;
	v29 =	vld.idx.msk [tilespmem:v57+s3+$0x0], $0xffff;
	[tilespmem:v52+s10+$0x0] =	vst.idx.msk $0xffff, v44;
	v27 =	vor.u32 $0x2, v4  }
0x82: {  	v60 =	vor.u32 $0x8, v1;
	v32 =	vld.idx.msk [tilespmem:v59+s3+$0x0], $0xffff;
	[tilespmem:v55+s10+$0x0] =	vst.idx.msk $0xffff, v47;
	v30 =	vor.u32 $0x3, v4  }
0x83: {  	v31 =	vor.u32 $0xC, v1;
	v63 =	vld.idx.msk [tilespmem:v20+s3+$0x0], $0xffff;
	[tilespmem:v58+s10+$0x0] =	vst.idx.msk $0xffff, v50;
	v33 =	vor.u32 $0x4, v4  }
0x84: {  	v34 =	vor.u32 $0xD, v1;
	v35 =	vor.u32 $0x5, v4;
	v6 =	vld.idx.msk [tilespmem:v62+s3+$0x0], $0xffff;
	[tilespmem:v4+s10+$0x0] =	vst.idx.msk $0xffff, v53  }
0x85: {  	v36 =	vor.u32 $0xE, v1;
	v37 =	vor.u32 $0x6, v4;
	v9 =	vld.idx.msk [tilespmem:v25+s3+$0x0], $0xffff;
	[tilespmem:v24+s10+$0x0] =	vst.idx.msk $0xffff, v14  }
0x86: {  	v38 =	vor.u32 $0xF, v1;
	v39 =	vor.u32 $0x7, v4;
	v7 =	vld.idx.msk [tilespmem:v28+s3+$0x0], $0xffff;
	[tilespmem:v27+s10+$0x0] =	vst.idx.msk $0xffff, v15  }
0x87: {  	v40 =	vor.u32 $0x8, v3;
	v41 =	vor.u32 $0x8, v2;
	v5 =	vld.idx.msk [tilespmem:v60+s3+$0x0], $0xffff;
	[tilespmem:v30+s10+$0x0] =	vst.idx.msk $0xffff, v61  }
0x88: {  	v42 =	vor.u32 $0x9, v3;
	v43 =	vor.u32 $0x9, v2;
	v10 =	vld.idx.msk [tilespmem:v31+s3+$0x0], $0xffff;
	[tilespmem:v33+s10+$0x0] =	vst.idx.msk $0xffff, v63  }
0x89: {  	v45 =	vor.u32 $0xA, v2;
	v44 =	vor.u32 $0xA, v3;
	v22 =	vld.idx.msk [tilespmem:v34+s3+$0x0], $0xffff;
	[tilespmem:v35+s10+$0x0] =	vst.idx.msk $0xffff, v26  }
0x8a: {  	v46 =	vor.u32 $0xB, v3;
	v47 =	vor.u32 $0xB, v2;
	v14 =	vld.idx.msk [tilespmem:v36+s3+$0x0], $0xffff;
	[tilespmem:v37+s10+$0x0] =	vst.idx.msk $0xffff, v29  }
0x8b: {  	v49 =	vor.u32 $0xC, v2;
	v48 =	vor.u32 $0xC, v3;
	v15 =	vld.idx.msk [tilespmem:v38+s3+$0x0], $0xffff;
	[tilespmem:v39+s10+$0x0] =	vst.idx.msk $0xffff, v32  }
0x8c: {  	v52 =	vor.u32 $0xD, v2;
	v50 =	vor.u32 $0xD, v3;
	[tilespmem:v40+s10+$0x0] =	vst.idx.msk $0xffff, v5;
	v51 =	vld.idx.msk [tilespmem:v41+s3+$0x0], $0xffff  }
0x8d: {  	v55 =	vor.u32 $0xE, v2;
	v53 =	vor.u32 $0xE, v3;
	[tilespmem:v42+s10+$0x0] =	vst.idx.msk $0xffff, v6;
	v54 =	vld.idx.msk [tilespmem:v43+s3+$0x0], $0xffff  }
0x8e: {  	v56 =	vor.u32 $0xF, v3;
	v58 =	vor.u32 $0xF, v2;
	[tilespmem:v44+s10+$0x0] =	vst.idx.msk $0xffff, v9;
	v57 =	vld.idx.msk [tilespmem:v45+s3+$0x0], $0xffff  }
0x8f: {  	v59 =	vor.u32 $0x10, v1;
	v61 =	vor.u32 $0x8, v4;
	[tilespmem:v46+s10+$0x0] =	vst.idx.msk $0xffff, v7;
	v60 =	vld.idx.msk [tilespmem:v47+s3+$0x0], $0xffff  }
0x90: {  	v62 =	vor.u32 $0x11, v1;
	v24 =	vor.u32 $0x9, v4;
	[tilespmem:v48+s10+$0x0] =	vst.idx.msk $0xffff, v10;
	v63 =	vld.idx.msk [tilespmem:v49+s3+$0x0], $0xffff  }
0x91: {  	v25 =	vor.u32 $0x12, v1;
	v26 =	vor.u32 $0xA, v4;
	[tilespmem:v50+s10+$0x0] =	vst.idx.msk $0xffff, v22;
	v16 =	vld.idx.msk [tilespmem:v52+s3+$0x0], $0xffff  }
0x92: {  	v27 =	vor.u32 $0x13, v1;
	v29 =	vor.u32 $0xB, v4;
	[tilespmem:v53+s10+$0x0] =	vst.idx.msk $0xffff, v14;
	v28 =	vld.idx.msk [tilespmem:v55+s3+$0x0], $0xffff  }
0x93: {  	v30 =	vor.u32 $0x14, v1;
	v32 =	vor.u32 $0xC, v4;
	v31 =	vld.idx.msk [tilespmem:v58+s3+$0x0], $0xffff;
	[tilespmem:v56+s10+$0x0] =	vst.idx.msk $0xffff, v15  }
0x94: {  	v34 =	vor.u32 $0xD, v4;
	v33 =	vor.u32 $0x15, v1;
	v7 =	vld.idx.msk [tilespmem:v59+s3+$0x0], $0xffff;
	[tilespmem:v61+s10+$0x0] =	vst.idx.msk $0xffff, v51  }
0x95: {  	v36 =	vor.u32 $0xE, v4;
	v35 =	vor.u32 $0x16, v1;
	v10 =	vld.idx.msk [tilespmem:v62+s3+$0x0], $0xffff;
	[tilespmem:v24+s10+$0x0] =	vst.idx.msk $0xffff, v54  }
0x96: {  	v38 =	vor.u32 $0xF, v4;
	v37 =	vor.u32 $0x17, v1;
	v5 =	vld.idx.msk [tilespmem:v25+s3+$0x0], $0xffff;
	[tilespmem:v26+s10+$0x0] =	vst.idx.msk $0xffff, v57  }
0x97: {  	v40 =	vor.u32 $0x10, v2;
	v39 =	vor.u32 $0x10, v3;
	v6 =	vld.idx.msk [tilespmem:v27+s3+$0x0], $0xffff;
	[tilespmem:v29+s10+$0x0] =	vst.idx.msk $0xffff, v60  }
0x98: {  	v42 =	vor.u32 $0x11, v2;
	v41 =	vor.u32 $0x11, v3;
	v9 =	vld.idx.msk [tilespmem:v30+s3+$0x0], $0xffff;
	[tilespmem:v32+s10+$0x0] =	vst.idx.msk $0xffff, v63  }
0x99: {  	v44 =	vor.u32 $0x12, v2;
	v43 =	vor.u32 $0x12, v3;
	v11 =	vld.idx.msk [tilespmem:v33+s3+$0x0], $0xffff;
	[tilespmem:v34+s10+$0x0] =	vst.idx.msk $0xffff, v16  }
0x9a: {  	v46 =	vor.u32 $0x13, v2;
	v45 =	vor.u32 $0x13, v3;
	v17 =	vld.idx.msk [tilespmem:v35+s3+$0x0], $0xffff;
	[tilespmem:v36+s10+$0x0] =	vst.idx.msk $0xffff, v28  }
0x9b: {  	v48 =	vor.u32 $0x14, v2;
	v47 =	vor.u32 $0x14, v3;
	v12 =	vld.idx.msk [tilespmem:v37+s3+$0x0], $0xffff;
	[tilespmem:v38+s10+$0x0] =	vst.idx.msk $0xffff, v31  }
0x9c: {  	v49 =	vor.u32 $0x15, v3;
	v51 =	vor.u32 $0x15, v2;
	[tilespmem:v39+s10+$0x0] =	vst.idx.msk $0xffff, v7;
	v50 =	vld.idx.msk [tilespmem:v40+s3+$0x0], $0xffff  }
0x9d: {  	v52 =	vor.u32 $0x16, v3;
	v54 =	vor.u32 $0x16, v2;
	[tilespmem:v41+s10+$0x0] =	vst.idx.msk $0xffff, v10;
	v53 =	vld.idx.msk [tilespmem:v42+s3+$0x0], $0xffff  }
0x9e: {  	v55 =	vor.u32 $0x17, v3;
	v57 =	vor.u32 $0x17, v2;
	[tilespmem:v43+s10+$0x0] =	vst.idx.msk $0xffff, v5;
	v56 =	vld.idx.msk [tilespmem:v44+s3+$0x0], $0xffff  }
0x9f: {  	v58 =	vor.u32 $0x18, v1;
	[tilespmem:v45+s10+$0x0] =	vst.idx.msk $0xffff, v6;
	v59 =	vld.idx.msk [tilespmem:v46+s3+$0x0], $0xffff  }
0xa0: {  	v61 =	vor.u32 $0x19, v1;
	[tilespmem:v47+s10+$0x0] =	vst.idx.msk $0xffff, v9;
	v62 =	vld.idx.msk [tilespmem:v48+s3+$0x0], $0xffff  }
0xa1: {  	v24 =	vor.u32 $0x1A, v1;
	[tilespmem:v49+s10+$0x0] =	vst.idx.msk $0xffff, v11;
	v25 =	vld.idx.msk [tilespmem:v51+s3+$0x0], $0xffff  }
0xa2: {  	v27 =	vor.u32 $0x1B, v1;
	[tilespmem:v52+s10+$0x0] =	vst.idx.msk $0xffff, v17;
	v28 =	vld.idx.msk [tilespmem:v54+s3+$0x0], $0xffff  }
0xa3: {  	v30 =	vor.u32 $0x1C, v1;
	v60 =	vor.u32 $0x10, v4;
	v31 =	vld.idx.msk [tilespmem:v57+s3+$0x0], $0xffff;
	[tilespmem:v55+s10+$0x0] =	vst.idx.msk $0xffff, v12  }
0xa4: {  	v33 =	vor.u32 $0x1D, v1;
	v63 =	vor.u32 $0x11, v4;
	v6 =	vld.idx.msk [tilespmem:v58+s3+$0x0], $0xffff  }
0xa5: {  	v35 =	vor.u32 $0x1E, v1;
	v26 =	vor.u32 $0x12, v4;
	v9 =	vld.idx.msk [tilespmem:v61+s3+$0x0], $0xffff  }
0xa6: {  	v1 =	vor.u32 $0x1F, v1;
	v38 =	vor.u32 $0x18, v3;
	v7 =	vld.idx.msk [tilespmem:v24+s3+$0x0], $0xffff  }
0xa7: {  	v29 =	vor.u32 $0x13, v4;
	v10 =	vld.idx.msk [tilespmem:v27+s3+$0x0], $0xffff  }
0xa8: {  	v32 =	vor.u32 $0x14, v4;
	v5 =	vld.idx.msk [tilespmem:v30+s3+$0x0], $0xffff;
	[tilespmem:v60+s10+$0x0] =	vst.idx.msk $0xffff, v50  }
0xa9: {  	v34 =	vor.u32 $0x15, v4;
	v8 =	vld.idx.msk [tilespmem:v33+s3+$0x0], $0xffff;
	[tilespmem:v63+s10+$0x0] =	vst.idx.msk $0xffff, v53  }
0xaa: {  	v36 =	vor.u32 $0x16, v4;
	v13 =	vld.idx.msk [tilespmem:v35+s3+$0x0], $0xffff;
	[tilespmem:v26+s10+$0x0] =	vst.idx.msk $0xffff, v56  }
0xab: {  	v37 =	vor.u32 $0x17, v4;
	v1 =	vld.idx.msk [tilespmem:v1+s3+$0x0], $0xffff;
	[tilespmem:v38+s10+$0x0] =	vst.idx.msk $0xffff, v6  }
0xac: {  	v39 =	vor.u32 $0x18, v2;
	v40 =	vor.u32 $0x19, v3;
	[tilespmem:v29+s10+$0x0] =	vst.idx.msk $0xffff, v59  }
0xad: {  	v41 =	vor.u32 $0x19, v2;
	v42 =	vor.u32 $0x1A, v3;
	[tilespmem:v32+s10+$0x0] =	vst.idx.msk $0xffff, v62  }
0xae: {  	v43 =	vor.u32 $0x1A, v2;
	v44 =	vor.u32 $0x1B, v3;
	[tilespmem:v34+s10+$0x0] =	vst.idx.msk $0xffff, v25  }
0xaf: {  	v45 =	vor.u32 $0x1B, v2;
	v46 =	vor.u32 $0x1C, v3;
	[tilespmem:v36+s10+$0x0] =	vst.idx.msk $0xffff, v28  }
0xb0: {  	v47 =	vor.u32 $0x1C, v2;
	v48 =	vor.u32 $0x1D, v3;
	[tilespmem:v37+s10+$0x0] =	vst.idx.msk $0xffff, v31  }
0xb1: {  	v51 =	vor.u32 $0x1E, v3;
	v50 =	vor.u32 $0x1D, v2;
	[tilespmem:v40+s10+$0x0] =	vst.idx.msk $0xffff, v9;
	v49 =	vld.idx.msk [tilespmem:v39+s3+$0x0], $0xffff  }
0xb2: {  	v3 =	vor.u32 $0x1F, v3;
	v53 =	vor.u32 $0x1E, v2;
	v2 =	vor.u32 $0x1F, v2;
	[tilespmem:v42+s10+$0x0] =	vst.idx.msk $0xffff, v7;
	v52 =	vld.idx.msk [tilespmem:v41+s3+$0x0], $0xffff  }
0xb3: {  	v56 =	vor.u32 $0x18, v4;
	[tilespmem:v44+s10+$0x0] =	vst.idx.msk $0xffff, v10;
	v54 =	vld.idx.msk [tilespmem:v43+s3+$0x0], $0xffff  }
0xb4: {  	v58 =	vor.u32 $0x19, v4;
	[tilespmem:v46+s10+$0x0] =	vst.idx.msk $0xffff, v5;
	v55 =	vld.idx.msk [tilespmem:v45+s3+$0x0], $0xffff  }
0xb5: {  	v60 =	vor.u32 $0x1A, v4;
	[tilespmem:v48+s10+$0x0] =	vst.idx.msk $0xffff, v8;
	v57 =	vld.idx.msk [tilespmem:v47+s3+$0x0], $0xffff  }
0xb6: {  	v62 =	vor.u32 $0x1B, v4;
	v59 =	vld.idx.msk [tilespmem:v50+s3+$0x0], $0xffff;
	[tilespmem:v51+s10+$0x0] =	vst.idx.msk $0xffff, v13  }
0xb7: {  	[tilespmem:v3+s10+$0x0] =	vst.idx.msk $0xffff, v1;
	v1 =	vld.idx.msk [tilespmem:v2+s3+$0x0], $0xffff;
	v2 =	vor.u32 $0x1C, v4  }
0xb8: {  	v61 =	vld.idx.msk [tilespmem:v53+s3+$0x0], $0xffff;
	v3 =	vor.u32 $0x1D, v4;
	[tilespmem:v56+s10+$0x0] =	vst.idx.msk $0xffff, v49  }
0xb9: {  	s17 =	sadd.s32 $0x4, s17;
	v63 =	vor.u32 $0x1E, v4;
	[tilespmem:v58+s10+$0x0] =	vst.idx.msk $0xffff, v52  }
0xba: {  	p1 =	slt.u32 s17, $0xC;
	v4 =	vor.u32 $0x1F, v4;
	[tilespmem:v60+s10+$0x0] =	vst.idx.msk $0xffff, v54  }
.Ltmp0:
0xbb: {  	[tilespmem:v62+s10+$0x0] =	vst.idx.msk $0xffff, v55;
	(pc) =	sbr.rel @p1 .LBB2_3-.Ltmp0, $4  }
0xbc: {  	[tilespmem:v2+s10+$0x0] =	vst.idx.msk $0xffff, v57  }
0xbd: {  	[tilespmem:v3+s10+$0x0] =	vst.idx.msk $0xffff, v59  }
0xbe: {  	[tilespmem:v63+s10+$0x0] =	vst.idx.msk $0xffff, v61  }
0xbf: {  	s18 =	sadd.s32 $0x40, s18;
	s19 =	sadd.s32 $0x40, s19;
	[tilespmem:v4+s10+$0x0] =	vst.idx.msk $0xffff, v1  }
0xc0: {  	s17 =	sshll.u32 s16, $0x4;
	s16 =	sor.u32 $0x100, s16  }
0xc1: {  	s17 =	sadd.s32 s5, s17;
	s31 =	sshrl.u32 s16, $0x3  }
0xc2: {  	[hbm4b:s17+s3] =	stream.linear.scatter [tilespmem:s10], [sflag:$0x1], $0x8000, $0x38;
	[tilespmem:$0x14100] =	vst v63  }
0xc3: {  	s17 =	sadd.s32 s2, s31  }
0xc4: {  	[tilespmem:s9], [sflag:$0x3] =	stream.linear.gather [hbm4b:s17+s3], $0x100, $0x38;
	[tilespmem:$0x14100] =	vst v63  }
0xc5: {  	_ =	swait.ge [sflag:s8], $0x100  }
0xc6: {  	[sflag:s8] =	ssyncset.done $0x0  }
0xc7: {  	s17 =	simm.s32 @!p0 $0x2;
	[sflag:s8] =	ssyncadd.s32 $0xFFFFFF00  }
0xc8: {  	_ =	swait.ge @!p0 [sflag:s17], $0x8000  }
0xc9: {  	s18 =	simm.s32 $0x0;
	[sflag:s17] =	ssyncset.done @!p0 $0x0  }
0xca: {  	s19 =	simm.s32 $0x4020;
	[sflag:s17] =	ssyncadd.s32 @!p0 $0xFFFF8000;
	s17 =	simm.s32 $0xFFFFFFFC  }
.LBB2_5:
0xcb: {  	v1 =	vld [tilespmem:s19+$0xFFFFFFE0];
	_ =	sdelay $0x4  }
0xcc: {  	v2 =	vshll.u32 v1, $0x5  }
0xcd: {  	v1 =	vor.u32 $0x1, v2  }
0xce: {  	v3 =	vor.u32 $0x2, v2  }
0xcf: {  	v4 =	vor.u32 $0x3, v2  }
0xd0: {  	v5 =	vor.u32 $0x4, v2  }
0xd1: {  	v8 =	vmov s18;
	v7 =	vor.u32 $0x5, v2;
	v6 =	vld.idx.msk [tilespmem:v2+s3+$0x0], $0xffff  }
0xd2: {  	v10 =	vor.u32 $0x6, v2;
	v9 =	vld.idx.msk [tilespmem:v1+s3+$0x0], $0xffff;
	v1 =	vshll.u32 v8, $0x7  }
0xd3: {  	v27 =	vor.u32 $0x7, v2;
	v3 =	vld.idx.msk [tilespmem:v3+s3+$0x0], $0xffff;
	v1 =	vor.u32 v0, v1  }
0xd4: {  	v4 =	vld.idx.msk [tilespmem:v4+s3+$0x0], $0xffff;
	v11 =	vor.u32 $0x1, v1  }
0xd5: {  	v5 =	vld.idx.msk [tilespmem:v5+s3+$0x0], $0xffff;
	v12 =	vor.u32 $0x2, v1  }
0xd6: {  	v7 =	vld.idx.msk [tilespmem:v7+s3+$0x0], $0xffff;
	v13 =	vor.u32 $0x3, v1  }
0xd7: {  	v10 =	vld.idx.msk [tilespmem:v10+s3+$0x0], $0xffff;
	v14 =	vor.u32 $0x4, v1  }
0xd8: {  	v8 =	vld.idx.msk [tilespmem:v27+s3+$0x0], $0xffff;
	v28 =	vor.u32 $0x5, v1;
	[tilespmem:v1+s11+$0x0] =	vst.idx.msk $0xffff, v6  }
0xd9: {  	v29 =	vor.u32 $0x6, v1;
	[tilespmem:v11+s11+$0x0] =	vst.idx.msk $0xffff, v9  }
0xda: {  	[tilespmem:v12+s11+$0x0] =	vst.idx.msk $0xffff, v3;
	v3 =	vor.u32 $0x7, v1  }
0xdb: {  	v30 =	vor.u32 $0x8, v2;
	[tilespmem:v13+s11+$0x0] =	vst.idx.msk $0xffff, v4  }
0xdc: {  	v31 =	vor.u32 $0x9, v2;
	[tilespmem:v14+s11+$0x0] =	vst.idx.msk $0xffff, v5  }
0xdd: {  	v32 =	vor.u32 $0xA, v2;
	[tilespmem:v28+s11+$0x0] =	vst.idx.msk $0xffff, v7  }
0xde: {  	v34 =	vld [tilespmem:s19+$0xFFFFFFF0];
	v33 =	vor.u32 $0xB, v2;
	[tilespmem:v29+s11+$0x0] =	vst.idx.msk $0xffff, v10  }
0xdf: {  	[tilespmem:v3+s11+$0x0] =	vst.idx.msk $0xffff, v8;
	v3 =	vor.u32 $0xC, v2  }
0xe0: {  	v35 =	vor.u32 $0xD, v2;
	v8 =	vld.idx.msk [tilespmem:v30+s3+$0x0], $0xffff  }
0xe1: {  	v36 =	vor.u32 $0xE, v2;
	v5 =	vld.idx.msk [tilespmem:v31+s3+$0x0], $0xffff  }
0xe2: {  	v37 =	vor.u32 $0xF, v2;
	v6 =	vld.idx.msk [tilespmem:v32+s3+$0x0], $0xffff  }
0xe3: {  	v38 =	vor.u32 $0x8, v1;
	v4 =	vshll.u32 v34, $0x5;
	v7 =	vld.idx.msk [tilespmem:v33+s3+$0x0], $0xffff  }
0xe4: {  	v40 =	vor.u32 $0x1, v4;
	v39 =	vld.idx.msk [tilespmem:v3+s3+$0x0], $0xffff;
	v3 =	vor.u32 $0x9, v1  }
0xe5: {  	v15 =	vor.u32 $0xA, v1;
	v16 =	vor.u32 $0x2, v4;
	v10 =	vld.idx.msk [tilespmem:v35+s3+$0x0], $0xffff  }
0xe6: {  	v17 =	vor.u32 $0xB, v1;
	v18 =	vor.u32 $0x3, v4;
	v11 =	vld.idx.msk [tilespmem:v36+s3+$0x0], $0xffff  }
0xe7: {  	v19 =	vor.u32 $0xC, v1;
	v20 =	vor.u32 $0x4, v4;
	v12 =	vld.idx.msk [tilespmem:v37+s3+$0x0], $0xffff  }
0xe8: {  	s20 =	sadd.s32 $0x10, s18;
	v41 =	vor.u32 $0xD, v1;
	v21 =	vor.u32 $0x5, v4;
	v42 =	vld.idx.msk [tilespmem:v4+s3+$0x0], $0xffff;
	[tilespmem:v38+s11+$0x0] =	vst.idx.msk $0xffff, v8  }
0xe9: {  	v43 =	vor.u32 $0xE, v1;
	v22 =	vor.u32 $0x6, v4;
	v14 =	vld.idx.msk [tilespmem:v40+s3+$0x0], $0xffff;
	[tilespmem:v3+s11+$0x0] =	vst.idx.msk $0xffff, v5;
	v3 =	vmov s20  }
0xea: {  	v44 =	vor.u32 $0xF, v1;
	v46 =	vor.u32 $0x7, v4;
	v45 =	vld.idx.msk [tilespmem:v16+s3+$0x0], $0xffff;
	[tilespmem:v15+s11+$0x0] =	vst.idx.msk $0xffff, v6;
	v3 =	vshll.u32 v3, $0x7  }
0xeb: {  	v47 =	vor.u32 $0x10, v2;
	v48 =	vld.idx.msk [tilespmem:v18+s3+$0x0], $0xffff;
	[tilespmem:v17+s11+$0x0] =	vst.idx.msk $0xffff, v7;
	v3 =	vor.u32 v0, v3  }
0xec: {  	v49 =	vor.u32 $0x11, v2;
	v50 =	vld.idx.msk [tilespmem:v20+s3+$0x0], $0xffff;
	[tilespmem:v19+s11+$0x0] =	vst.idx.msk $0xffff, v39;
	v51 =	vor.u32 $0x1, v3  }
0xed: {  	v52 =	vor.u32 $0x12, v2;
	v53 =	vld.idx.msk [tilespmem:v21+s3+$0x0], $0xffff;
	v54 =	vor.u32 $0x2, v3;
	[tilespmem:v41+s11+$0x0] =	vst.idx.msk $0xffff, v10  }
0xee: {  	v55 =	vor.u32 $0x13, v2;
	v56 =	vld.idx.msk [tilespmem:v22+s3+$0x0], $0xffff;
	v57 =	vor.u32 $0x3, v3;
	[tilespmem:v43+s11+$0x0] =	vst.idx.msk $0xffff, v11  }
0xef: {  	v58 =	vor.u32 $0x14, v2;
	v59 =	vld.idx.msk [tilespmem:v46+s3+$0x0], $0xffff;
	v60 =	vor.u32 $0x4, v3;
	[tilespmem:v44+s11+$0x0] =	vst.idx.msk $0xffff, v12  }
0xf0: {  	v61 =	vor.u32 $0x15, v2;
	v62 =	vor.u32 $0x5, v3;
	v7 =	vld.idx.msk [tilespmem:v47+s3+$0x0], $0xffff;
	[tilespmem:v3+s11+$0x0] =	vst.idx.msk $0xffff, v42  }
0xf1: {  	v23 =	vor.u32 $0x16, v2;
	v63 =	vor.u32 $0x6, v3;
	v9 =	vld.idx.msk [tilespmem:v49+s3+$0x0], $0xffff;
	[tilespmem:v51+s11+$0x0] =	vst.idx.msk $0xffff, v14  }
0xf2: {  	v24 =	vor.u32 $0x17, v2;
	v25 =	vor.u32 $0x7, v3;
	v8 =	vld.idx.msk [tilespmem:v52+s3+$0x0], $0xffff;
	[tilespmem:v54+s11+$0x0] =	vst.idx.msk $0xffff, v45  }
0xf3: {  	v26 =	vor.u32 $0x10, v1;
	v27 =	vor.u32 $0x8, v4;
	v5 =	vld.idx.msk [tilespmem:v55+s3+$0x0], $0xffff;
	[tilespmem:v57+s11+$0x0] =	vst.idx.msk $0xffff, v48  }
0xf4: {  	v28 =	vor.u32 $0x11, v1;
	v29 =	vor.u32 $0x9, v4;
	v6 =	vld.idx.msk [tilespmem:v58+s3+$0x0], $0xffff;
	[tilespmem:v60+s11+$0x0] =	vst.idx.msk $0xffff, v50  }
0xf5: {  	v31 =	vor.u32 $0x12, v1;
	v32 =	vor.u32 $0xA, v4;
	v30 =	vld.idx.msk [tilespmem:v61+s3+$0x0], $0xffff;
	[tilespmem:v62+s11+$0x0] =	vst.idx.msk $0xffff, v53  }
0xf6: {  	v34 =	vor.u32 $0x13, v1;
	v35 =	vor.u32 $0xB, v4;
	v33 =	vld.idx.msk [tilespmem:v23+s3+$0x0], $0xffff;
	[tilespmem:v63+s11+$0x0] =	vst.idx.msk $0xffff, v56  }
0xf7: {  	v37 =	vor.u32 $0x14, v1;
	v38 =	vor.u32 $0xC, v4;
	v36 =	vld.idx.msk [tilespmem:v24+s3+$0x0], $0xffff;
	[tilespmem:v25+s11+$0x0] =	vst.idx.msk $0xffff, v59  }
0xf8: {  	v40 =	vor.u32 $0xD, v4;
	v39 =	vor.u32 $0x15, v1;
	[tilespmem:v26+s11+$0x0] =	vst.idx.msk $0xffff, v7;
	v15 =	vld.idx.msk [tilespmem:v27+s3+$0x0], $0xffff  }
0xf9: {  	v41 =	vor.u32 $0x16, v1;
	v42 =	vor.u32 $0xE, v4;
	[tilespmem:v28+s11+$0x0] =	vst.idx.msk $0xffff, v9;
	v16 =	vld.idx.msk [tilespmem:v29+s3+$0x0], $0xffff  }
0xfa: {  	v43 =	vor.u32 $0x17, v1;
	v44 =	vor.u32 $0xF, v4;
	[tilespmem:v31+s11+$0x0] =	vst.idx.msk $0xffff, v8;
	v10 =	vld.idx.msk [tilespmem:v32+s3+$0x0], $0xffff  }
0xfb: {  	v46 =	vor.u32 $0x8, v3;
	v57 =	vor.u32 $0x18, v2;
	[tilespmem:v34+s11+$0x0] =	vst.idx.msk $0xffff, v5;
	v45 =	vld.idx.msk [tilespmem:v35+s3+$0x0], $0xffff  }
0xfc: {  	v48 =	vor.u32 $0x9, v3;
	v26 =	vor.u32 $0x19, v2;
	v47 =	vld.idx.msk [tilespmem:v38+s3+$0x0], $0xffff;
	[tilespmem:v37+s11+$0x0] =	vst.idx.msk $0xffff, v6  }
0xfd: {  	v50 =	vor.u32 $0xA, v3;
	v49 =	vld.idx.msk [tilespmem:v40+s3+$0x0], $0xffff;
	v32 =	vor.u32 $0x1C, v2;
	[tilespmem:v39+s11+$0x0] =	vst.idx.msk $0xffff, v30  }
0xfe: {  	v52 =	vor.u32 $0xB, v3;
	v51 =	vld.idx.msk [tilespmem:v42+s3+$0x0], $0xffff;
	v34 =	vor.u32 $0x1D, v2;
	[tilespmem:v41+s11+$0x0] =	vst.idx.msk $0xffff, v33  }
0xff: {  	v54 =	vor.u32 $0xC, v3;
	v28 =	vor.u32 $0x1A, v2;
	v53 =	vld.idx.msk [tilespmem:v44+s3+$0x0], $0xffff;
	[tilespmem:v43+s11+$0x0] =	vst.idx.msk $0xffff, v36  }
0x100: {  	v55 =	vor.u32 $0xD, v3;
	v30 =	vor.u32 $0x1B, v2;
	[tilespmem:v46+s11+$0x0] =	vst.idx.msk $0xffff, v15;
	v63 =	vld.idx.msk [tilespmem:v57+s3+$0x0], $0xffff  }
0x101: {  	v56 =	vor.u32 $0xE, v3;
	v14 =	vld.idx.msk [tilespmem:v26+s3+$0x0], $0xffff;
	[tilespmem:v48+s11+$0x0] =	vst.idx.msk $0xffff, v16  }
0x102: {  	v58 =	vor.u32 $0xF, v3;
	v36 =	vor.u32 $0x1E, v2;
	v2 =	vor.u32 $0x1F, v2;
	v41 =	vld.idx.msk [tilespmem:v32+s3+$0x0], $0xffff;
	[tilespmem:v50+s11+$0x0] =	vst.idx.msk $0xffff, v10  }
0x103: {  	v59 =	vor.u32 $0x10, v4;
	v43 =	vld.idx.msk [tilespmem:v34+s3+$0x0], $0xffff;
	[tilespmem:v52+s11+$0x0] =	vst.idx.msk $0xffff, v45  }
0x104: {  	v60 =	vor.u32 $0x11, v4;
	v16 =	vld.idx.msk [tilespmem:v28+s3+$0x0], $0xffff;
	[tilespmem:v54+s11+$0x0] =	vst.idx.msk $0xffff, v47  }
0x105: {  	v61 =	vor.u32 $0x12, v4;
	v39 =	vld.idx.msk [tilespmem:v30+s3+$0x0], $0xffff;
	[tilespmem:v55+s11+$0x0] =	vst.idx.msk $0xffff, v49  }
0x106: {  	v62 =	vor.u32 $0x13, v4;
	v52 =	vld [tilespmem:s19+$0x0];
	[tilespmem:v56+s11+$0x0] =	vst.idx.msk $0xffff, v51  }
0x107: {  	v22 =	vor.u32 $0x14, v4;
	v2 =	vld.idx.msk [tilespmem:v2+s3+$0x0], $0xffff;
	[tilespmem:v58+s11+$0x0] =	vst.idx.msk $0xffff, v53  }
0x108: {  	v23 =	vor.u32 $0x15, v4;
	v5 =	vld.idx.msk [tilespmem:v59+s3+$0x0], $0xffff  }
0x109: {  	v24 =	vor.u32 $0x16, v4;
	v6 =	vld.idx.msk [tilespmem:v60+s3+$0x0], $0xffff  }
0x10a: {  	v25 =	vor.u32 $0x17, v4;
	v27 =	vor.u32 $0x10, v3;
	v7 =	vld.idx.msk [tilespmem:v61+s3+$0x0], $0xffff  }
0x10b: {  	v44 =	vor.u32 $0x18, v1;
	v9 =	vld.idx.msk [tilespmem:v62+s3+$0x0], $0xffff  }
0x10c: {  	v29 =	vor.u32 $0x11, v3;
	v8 =	vld.idx.msk [tilespmem:v22+s3+$0x0], $0xffff  }
0x10d: {  	v46 =	vor.u32 $0x19, v1;
	v10 =	vld.idx.msk [tilespmem:v23+s3+$0x0], $0xffff  }
0x10e: {  	v31 =	vor.u32 $0x12, v3;
	v12 =	vld.idx.msk [tilespmem:v24+s3+$0x0], $0xffff  }
0x10f: {  	v48 =	vor.u32 $0x1A, v1;
	v13 =	vld.idx.msk [tilespmem:v25+s3+$0x0], $0xffff;
	[tilespmem:v27+s11+$0x0] =	vst.idx.msk $0xffff, v5  }
0x110: {  	v35 =	vor.u32 $0x14, v3;
	v33 =	vor.u32 $0x13, v3;
	v5 =	vld.idx.msk [tilespmem:v36+s3+$0x0], $0xffff;
	[tilespmem:v44+s11+$0x0] =	vst.idx.msk $0xffff, v63  }
0x111: {  	v57 =	vor.u32 $0x1E, v1;
	v50 =	vor.u32 $0x1B, v1;
	v55 =	vor.u32 $0x1D, v1;
	[tilespmem:v29+s11+$0x0] =	vst.idx.msk $0xffff, v6  }
0x112: {  	v53 =	vor.u32 $0x1C, v1;
	v58 =	vor.u32 $0x1F, v1;
	v1 =	vshll.u32 v52, $0x5;
	[tilespmem:v46+s11+$0x0] =	vst.idx.msk $0xffff, v14  }
0x113: {  	v62 =	vor.u32 $0x1, v1;
	[tilespmem:v31+s11+$0x0] =	vst.idx.msk $0xffff, v7  }
0x114: {  	v37 =	vor.u32 $0x15, v3;
	v30 =	vor.u32 $0x4, v1;
	[tilespmem:v48+s11+$0x0] =	vst.idx.msk $0xffff, v16  }
0x115: {  	v38 =	vor.u32 $0x16, v3;
	v25 =	vor.u32 $0x2, v1;
	[tilespmem:v33+s11+$0x0] =	vst.idx.msk $0xffff, v9  }
0x116: {  	v40 =	vor.u32 $0x17, v3;
	v28 =	vld [tilespmem:s19+$0x10];
	v27 =	vor.u32 $0x3, v1;
	[tilespmem:v50+s11+$0x0] =	vst.idx.msk $0xffff, v39  }
0x117: {  	v42 =	vor.u32 $0x18, v4;
	v32 =	vld.idx.msk [tilespmem:v1+s3+$0x0], $0xffff;
	[tilespmem:v35+s11+$0x0] =	vst.idx.msk $0xffff, v8  }
0x118: {  	v45 =	vor.u32 $0x19, v4;
	[tilespmem:v53+s11+$0x0] =	vst.idx.msk $0xffff, v41;
	v35 =	vld.idx.msk [tilespmem:v62+s3+$0x0], $0xffff  }
0x119: {  	v47 =	vor.u32 $0x1A, v4;
	v41 =	vld.idx.msk [tilespmem:v30+s3+$0x0], $0xffff;
	[tilespmem:v37+s11+$0x0] =	vst.idx.msk $0xffff, v10  }
0x11a: {  	v49 =	vor.u32 $0x1B, v4;
	[tilespmem:v38+s11+$0x0] =	vst.idx.msk $0xffff, v12;
	v38 =	vld.idx.msk [tilespmem:v25+s3+$0x0], $0xffff  }
0x11b: {  	v51 =	vor.u32 $0x1C, v4;
	[tilespmem:v40+s11+$0x0] =	vst.idx.msk $0xffff, v13;
	v40 =	vld.idx.msk [tilespmem:v27+s3+$0x0], $0xffff  }
0x11c: {  	v26 =	vor.u32 $0x1B, v3;
	v54 =	vor.u32 $0x1D, v4;
	v9 =	vld.idx.msk [tilespmem:v42+s3+$0x0], $0xffff  }
0x11d: {  	v34 =	vor.u32 $0x1E, v3;
	v56 =	vor.u32 $0x1E, v4;
	v4 =	vor.u32 $0x1F, v4;
	[tilespmem:v55+s11+$0x0] =	vst.idx.msk $0xffff, v43;
	v8 =	vld.idx.msk [tilespmem:v45+s3+$0x0], $0xffff  }
0x11e: {  	s30 =	sadd.s32 $0x20, s18;
	v59 =	vor.u32 $0x18, v3;
	v61 =	vor.u32 $0x19, v3;
	v24 =	vor.u32 $0x1A, v3;
	[tilespmem:v57+s11+$0x0] =	vst.idx.msk $0xffff, v5;
	v10 =	vld.idx.msk [tilespmem:v47+s3+$0x0], $0xffff  }
0x11f: {  	v36 =	vor.u32 $0x6, v1;
	v33 =	vor.u32 $0x5, v1;
	[tilespmem:v58+s11+$0x0] =	vst.idx.msk $0xffff, v2;
	v2 =	vmov s30;
	v6 =	vld.idx.msk [tilespmem:v49+s3+$0x0], $0xffff  }
0x120: {  	v29 =	vor.u32 $0x1C, v3;
	v31 =	vor.u32 $0x1D, v3;
	v7 =	vld.idx.msk [tilespmem:v51+s3+$0x0], $0xffff;
	v2 =	vshll.u32 v2, $0x7  }
0x121: {  	v39 =	vor.u32 $0x7, v1;
	v37 =	vor.u32 $0x1F, v3;
	v60 =	vld.idx.msk [tilespmem:v54+s3+$0x0], $0xffff;
	v3 =	vor.u32 v0, v2  }
0x122: {  	v63 =	vld.idx.msk [tilespmem:v56+s3+$0x0], $0xffff  }
0x123: {  	v4 =	vld.idx.msk [tilespmem:v4+s3+$0x0], $0xffff;
	v42 =	vor.u32 $0x1, v3  }
0x124: {  	v44 =	vld.idx.msk [tilespmem:v33+s3+$0x0], $0xffff;
	[tilespmem:v59+s11+$0x0] =	vst.idx.msk $0xffff, v9  }
0x125: {  	v47 =	vld.idx.msk [tilespmem:v36+s3+$0x0], $0xffff;
	v45 =	vor.u32 $0x2, v3;
	[tilespmem:v61+s11+$0x0] =	vst.idx.msk $0xffff, v8  }
0x126: {  	v50 =	vld.idx.msk [tilespmem:v39+s3+$0x0], $0xffff;
	[tilespmem:v3+s11+$0x0] =	vst.idx.msk $0xffff, v32  }
0x127: {  	v2 =	vshll.u32 v28, $0x5;
	[tilespmem:v24+s11+$0x0] =	vst.idx.msk $0xffff, v10  }
0x128: {  	v43 =	vor.u32 $0x1, v2;
	[tilespmem:v42+s11+$0x0] =	vst.idx.msk $0xffff, v35  }
0x129: {  	v46 =	vor.u32 $0x2, v2;
	[tilespmem:v26+s11+$0x0] =	vst.idx.msk $0xffff, v6  }
0x12a: {  	v48 =	vor.u32 $0x3, v3;
	v49 =	vor.u32 $0x3, v2;
	[tilespmem:v45+s11+$0x0] =	vst.idx.msk $0xffff, v38  }
0x12b: {  	v51 =	vor.u32 $0x4, v3;
	v54 =	vor.u32 $0x5, v2;
	[tilespmem:v29+s11+$0x0] =	vst.idx.msk $0xffff, v7  }
0x12c: {  	s31 =	sadd.s32 $0x30, s18;
	v52 =	vor.u32 $0x5, v3;
	v57 =	vor.u32 $0x6, v2;
	v53 =	vld.idx.msk [tilespmem:v2+s3+$0x0], $0xffff;
	[tilespmem:v31+s11+$0x0] =	vst.idx.msk $0xffff, v60  }
0x12d: {  	v56 =	vmov s31;
	v55 =	vor.u32 $0x6, v3;
	v59 =	vor.u32 $0x7, v2;
	v14 =	vld.idx.msk [tilespmem:v43+s3+$0x0], $0xffff;
	[tilespmem:v34+s11+$0x0] =	vst.idx.msk $0xffff, v63  }
0x12e: {  	v20 =	vor.u32 $0x4, v2;
	v58 =	vor.u32 $0x7, v3;
	v15 =	vld.idx.msk [tilespmem:v46+s3+$0x0], $0xffff;
	[tilespmem:v37+s11+$0x0] =	vst.idx.msk $0xffff, v4;
	v4 =	vshll.u32 v56, $0x7  }
0x12f: {  	v62 =	vor.u32 $0x9, v1;
	v61 =	vld.idx.msk [tilespmem:v49+s3+$0x0], $0xffff;
	[tilespmem:v48+s11+$0x0] =	vst.idx.msk $0xffff, v40;
	v4 =	vor.u32 v0, v4  }
0x130: {  	v25 =	vor.u32 $0xA, v1;
	v26 =	vld.idx.msk [tilespmem:v54+s3+$0x0], $0xffff;
	[tilespmem:v51+s11+$0x0] =	vst.idx.msk $0xffff, v41;
	v24 =	vor.u32 $0x1, v4  }
0x131: {  	v28 =	vor.u32 $0xB, v1;
	v29 =	vld.idx.msk [tilespmem:v57+s3+$0x0], $0xffff;
	[tilespmem:v52+s11+$0x0] =	vst.idx.msk $0xffff, v44;
	v27 =	vor.u32 $0x2, v4  }
0x132: {  	v60 =	vor.u32 $0x8, v1;
	v32 =	vld.idx.msk [tilespmem:v59+s3+$0x0], $0xffff;
	[tilespmem:v55+s11+$0x0] =	vst.idx.msk $0xffff, v47;
	v30 =	vor.u32 $0x3, v4  }
0x133: {  	v31 =	vor.u32 $0xC, v1;
	v63 =	vld.idx.msk [tilespmem:v20+s3+$0x0], $0xffff;
	[tilespmem:v58+s11+$0x0] =	vst.idx.msk $0xffff, v50;
	v33 =	vor.u32 $0x4, v4  }
0x134: {  	v34 =	vor.u32 $0xD, v1;
	v35 =	vor.u32 $0x5, v4;
	v6 =	vld.idx.msk [tilespmem:v62+s3+$0x0], $0xffff;
	[tilespmem:v4+s11+$0x0] =	vst.idx.msk $0xffff, v53  }
0x135: {  	v36 =	vor.u32 $0xE, v1;
	v37 =	vor.u32 $0x6, v4;
	v9 =	vld.idx.msk [tilespmem:v25+s3+$0x0], $0xffff;
	[tilespmem:v24+s11+$0x0] =	vst.idx.msk $0xffff, v14  }
0x136: {  	v38 =	vor.u32 $0xF, v1;
	v39 =	vor.u32 $0x7, v4;
	v7 =	vld.idx.msk [tilespmem:v28+s3+$0x0], $0xffff;
	[tilespmem:v27+s11+$0x0] =	vst.idx.msk $0xffff, v15  }
0x137: {  	v40 =	vor.u32 $0x8, v3;
	v41 =	vor.u32 $0x8, v2;
	v5 =	vld.idx.msk [tilespmem:v60+s3+$0x0], $0xffff;
	[tilespmem:v30+s11+$0x0] =	vst.idx.msk $0xffff, v61  }
0x138: {  	v42 =	vor.u32 $0x9, v3;
	v43 =	vor.u32 $0x9, v2;
	v10 =	vld.idx.msk [tilespmem:v31+s3+$0x0], $0xffff;
	[tilespmem:v33+s11+$0x0] =	vst.idx.msk $0xffff, v63  }
0x139: {  	v45 =	vor.u32 $0xA, v2;
	v44 =	vor.u32 $0xA, v3;
	v22 =	vld.idx.msk [tilespmem:v34+s3+$0x0], $0xffff;
	[tilespmem:v35+s11+$0x0] =	vst.idx.msk $0xffff, v26  }
0x13a: {  	v46 =	vor.u32 $0xB, v3;
	v47 =	vor.u32 $0xB, v2;
	v14 =	vld.idx.msk [tilespmem:v36+s3+$0x0], $0xffff;
	[tilespmem:v37+s11+$0x0] =	vst.idx.msk $0xffff, v29  }
0x13b: {  	v49 =	vor.u32 $0xC, v2;
	v48 =	vor.u32 $0xC, v3;
	v15 =	vld.idx.msk [tilespmem:v38+s3+$0x0], $0xffff;
	[tilespmem:v39+s11+$0x0] =	vst.idx.msk $0xffff, v32  }
0x13c: {  	v52 =	vor.u32 $0xD, v2;
	v50 =	vor.u32 $0xD, v3;
	[tilespmem:v40+s11+$0x0] =	vst.idx.msk $0xffff, v5;
	v51 =	vld.idx.msk [tilespmem:v41+s3+$0x0], $0xffff  }
0x13d: {  	v55 =	vor.u32 $0xE, v2;
	v53 =	vor.u32 $0xE, v3;
	[tilespmem:v42+s11+$0x0] =	vst.idx.msk $0xffff, v6;
	v54 =	vld.idx.msk [tilespmem:v43+s3+$0x0], $0xffff  }
0x13e: {  	v56 =	vor.u32 $0xF, v3;
	v58 =	vor.u32 $0xF, v2;
	[tilespmem:v44+s11+$0x0] =	vst.idx.msk $0xffff, v9;
	v57 =	vld.idx.msk [tilespmem:v45+s3+$0x0], $0xffff  }
0x13f: {  	v59 =	vor.u32 $0x10, v1;
	v61 =	vor.u32 $0x8, v4;
	[tilespmem:v46+s11+$0x0] =	vst.idx.msk $0xffff, v7;
	v60 =	vld.idx.msk [tilespmem:v47+s3+$0x0], $0xffff  }
0x140: {  	v62 =	vor.u32 $0x11, v1;
	v24 =	vor.u32 $0x9, v4;
	[tilespmem:v48+s11+$0x0] =	vst.idx.msk $0xffff, v10;
	v63 =	vld.idx.msk [tilespmem:v49+s3+$0x0], $0xffff  }
0x141: {  	v25 =	vor.u32 $0x12, v1;
	v26 =	vor.u32 $0xA, v4;
	[tilespmem:v50+s11+$0x0] =	vst.idx.msk $0xffff, v22;
	v16 =	vld.idx.msk [tilespmem:v52+s3+$0x0], $0xffff  }
0x142: {  	v27 =	vor.u32 $0x13, v1;
	v29 =	vor.u32 $0xB, v4;
	[tilespmem:v53+s11+$0x0] =	vst.idx.msk $0xffff, v14;
	v28 =	vld.idx.msk [tilespmem:v55+s3+$0x0], $0xffff  }
0x143: {  	v30 =	vor.u32 $0x14, v1;
	v32 =	vor.u32 $0xC, v4;
	v31 =	vld.idx.msk [tilespmem:v58+s3+$0x0], $0xffff;
	[tilespmem:v56+s11+$0x0] =	vst.idx.msk $0xffff, v15  }
0x144: {  	v34 =	vor.u32 $0xD, v4;
	v33 =	vor.u32 $0x15, v1;
	v7 =	vld.idx.msk [tilespmem:v59+s3+$0x0], $0xffff;
	[tilespmem:v61+s11+$0x0] =	vst.idx.msk $0xffff, v51  }
0x145: {  	v36 =	vor.u32 $0xE, v4;
	v35 =	vor.u32 $0x16, v1;
	v10 =	vld.idx.msk [tilespmem:v62+s3+$0x0], $0xffff;
	[tilespmem:v24+s11+$0x0] =	vst.idx.msk $0xffff, v54  }
0x146: {  	v38 =	vor.u32 $0xF, v4;
	v37 =	vor.u32 $0x17, v1;
	v5 =	vld.idx.msk [tilespmem:v25+s3+$0x0], $0xffff;
	[tilespmem:v26+s11+$0x0] =	vst.idx.msk $0xffff, v57  }
0x147: {  	v40 =	vor.u32 $0x10, v2;
	v39 =	vor.u32 $0x10, v3;
	v6 =	vld.idx.msk [tilespmem:v27+s3+$0x0], $0xffff;
	[tilespmem:v29+s11+$0x0] =	vst.idx.msk $0xffff, v60  }
0x148: {  	v42 =	vor.u32 $0x11, v2;
	v41 =	vor.u32 $0x11, v3;
	v9 =	vld.idx.msk [tilespmem:v30+s3+$0x0], $0xffff;
	[tilespmem:v32+s11+$0x0] =	vst.idx.msk $0xffff, v63  }
0x149: {  	v44 =	vor.u32 $0x12, v2;
	v43 =	vor.u32 $0x12, v3;
	v11 =	vld.idx.msk [tilespmem:v33+s3+$0x0], $0xffff;
	[tilespmem:v34+s11+$0x0] =	vst.idx.msk $0xffff, v16  }
0x14a: {  	v46 =	vor.u32 $0x13, v2;
	v45 =	vor.u32 $0x13, v3;
	v17 =	vld.idx.msk [tilespmem:v35+s3+$0x0], $0xffff;
	[tilespmem:v36+s11+$0x0] =	vst.idx.msk $0xffff, v28  }
0x14b: {  	v48 =	vor.u32 $0x14, v2;
	v47 =	vor.u32 $0x14, v3;
	v12 =	vld.idx.msk [tilespmem:v37+s3+$0x0], $0xffff;
	[tilespmem:v38+s11+$0x0] =	vst.idx.msk $0xffff, v31  }
0x14c: {  	v49 =	vor.u32 $0x15, v3;
	v51 =	vor.u32 $0x15, v2;
	[tilespmem:v39+s11+$0x0] =	vst.idx.msk $0xffff, v7;
	v50 =	vld.idx.msk [tilespmem:v40+s3+$0x0], $0xffff  }
0x14d: {  	v52 =	vor.u32 $0x16, v3;
	v54 =	vor.u32 $0x16, v2;
	[tilespmem:v41+s11+$0x0] =	vst.idx.msk $0xffff, v10;
	v53 =	vld.idx.msk [tilespmem:v42+s3+$0x0], $0xffff  }
0x14e: {  	v55 =	vor.u32 $0x17, v3;
	v57 =	vor.u32 $0x17, v2;
	[tilespmem:v43+s11+$0x0] =	vst.idx.msk $0xffff, v5;
	v56 =	vld.idx.msk [tilespmem:v44+s3+$0x0], $0xffff  }
0x14f: {  	v58 =	vor.u32 $0x18, v1;
	[tilespmem:v45+s11+$0x0] =	vst.idx.msk $0xffff, v6;
	v59 =	vld.idx.msk [tilespmem:v46+s3+$0x0], $0xffff  }
0x150: {  	v61 =	vor.u32 $0x19, v1;
	[tilespmem:v47+s11+$0x0] =	vst.idx.msk $0xffff, v9;
	v62 =	vld.idx.msk [tilespmem:v48+s3+$0x0], $0xffff  }
0x151: {  	v24 =	vor.u32 $0x1A, v1;
	[tilespmem:v49+s11+$0x0] =	vst.idx.msk $0xffff, v11;
	v25 =	vld.idx.msk [tilespmem:v51+s3+$0x0], $0xffff  }
0x152: {  	v27 =	vor.u32 $0x1B, v1;
	[tilespmem:v52+s11+$0x0] =	vst.idx.msk $0xffff, v17;
	v28 =	vld.idx.msk [tilespmem:v54+s3+$0x0], $0xffff  }
0x153: {  	v30 =	vor.u32 $0x1C, v1;
	v60 =	vor.u32 $0x10, v4;
	v31 =	vld.idx.msk [tilespmem:v57+s3+$0x0], $0xffff;
	[tilespmem:v55+s11+$0x0] =	vst.idx.msk $0xffff, v12  }
0x154: {  	v33 =	vor.u32 $0x1D, v1;
	v63 =	vor.u32 $0x11, v4;
	v6 =	vld.idx.msk [tilespmem:v58+s3+$0x0], $0xffff  }
0x155: {  	v35 =	vor.u32 $0x1E, v1;
	v26 =	vor.u32 $0x12, v4;
	v9 =	vld.idx.msk [tilespmem:v61+s3+$0x0], $0xffff  }
0x156: {  	v1 =	vor.u32 $0x1F, v1;
	v38 =	vor.u32 $0x18, v3;
	v7 =	vld.idx.msk [tilespmem:v24+s3+$0x0], $0xffff  }
0x157: {  	v29 =	vor.u32 $0x13, v4;
	v10 =	vld.idx.msk [tilespmem:v27+s3+$0x0], $0xffff  }
0x158: {  	v32 =	vor.u32 $0x14, v4;
	v5 =	vld.idx.msk [tilespmem:v30+s3+$0x0], $0xffff;
	[tilespmem:v60+s11+$0x0] =	vst.idx.msk $0xffff, v50  }
0x159: {  	v34 =	vor.u32 $0x15, v4;
	v8 =	vld.idx.msk [tilespmem:v33+s3+$0x0], $0xffff;
	[tilespmem:v63+s11+$0x0] =	vst.idx.msk $0xffff, v53  }
0x15a: {  	v36 =	vor.u32 $0x16, v4;
	v13 =	vld.idx.msk [tilespmem:v35+s3+$0x0], $0xffff;
	[tilespmem:v26+s11+$0x0] =	vst.idx.msk $0xffff, v56  }
0x15b: {  	v37 =	vor.u32 $0x17, v4;
	v1 =	vld.idx.msk [tilespmem:v1+s3+$0x0], $0xffff;
	[tilespmem:v38+s11+$0x0] =	vst.idx.msk $0xffff, v6  }
0x15c: {  	v39 =	vor.u32 $0x18, v2;
	v40 =	vor.u32 $0x19, v3;
	[tilespmem:v29+s11+$0x0] =	vst.idx.msk $0xffff, v59  }
0x15d: {  	v41 =	vor.u32 $0x19, v2;
	v42 =	vor.u32 $0x1A, v3;
	[tilespmem:v32+s11+$0x0] =	vst.idx.msk $0xffff, v62  }
0x15e: {  	v43 =	vor.u32 $0x1A, v2;
	v44 =	vor.u32 $0x1B, v3;
	[tilespmem:v34+s11+$0x0] =	vst.idx.msk $0xffff, v25  }
0x15f: {  	v45 =	vor.u32 $0x1B, v2;
	v46 =	vor.u32 $0x1C, v3;
	[tilespmem:v36+s11+$0x0] =	vst.idx.msk $0xffff, v28  }
0x160: {  	v47 =	vor.u32 $0x1C, v2;
	v48 =	vor.u32 $0x1D, v3;
	[tilespmem:v37+s11+$0x0] =	vst.idx.msk $0xffff, v31  }
0x161: {  	v51 =	vor.u32 $0x1E, v3;
	v50 =	vor.u32 $0x1D, v2;
	[tilespmem:v40+s11+$0x0] =	vst.idx.msk $0xffff, v9;
	v49 =	vld.idx.msk [tilespmem:v39+s3+$0x0], $0xffff  }
0x162: {  	v3 =	vor.u32 $0x1F, v3;
	v53 =	vor.u32 $0x1E, v2;
	v2 =	vor.u32 $0x1F, v2;
	[tilespmem:v42+s11+$0x0] =	vst.idx.msk $0xffff, v7;
	v52 =	vld.idx.msk [tilespmem:v41+s3+$0x0], $0xffff  }
0x163: {  	v56 =	vor.u32 $0x18, v4;
	[tilespmem:v44+s11+$0x0] =	vst.idx.msk $0xffff, v10;
	v54 =	vld.idx.msk [tilespmem:v43+s3+$0x0], $0xffff  }
0x164: {  	v58 =	vor.u32 $0x19, v4;
	[tilespmem:v46+s11+$0x0] =	vst.idx.msk $0xffff, v5;
	v55 =	vld.idx.msk [tilespmem:v45+s3+$0x0], $0xffff  }
0x165: {  	v60 =	vor.u32 $0x1A, v4;
	[tilespmem:v48+s11+$0x0] =	vst.idx.msk $0xffff, v8;
	v57 =	vld.idx.msk [tilespmem:v47+s3+$0x0], $0xffff  }
0x166: {  	v62 =	vor.u32 $0x1B, v4;
	v59 =	vld.idx.msk [tilespmem:v50+s3+$0x0], $0xffff;
	[tilespmem:v51+s11+$0x0] =	vst.idx.msk $0xffff, v13  }
0x167: {  	[tilespmem:v3+s11+$0x0] =	vst.idx.msk $0xffff, v1;
	v1 =	vld.idx.msk [tilespmem:v2+s3+$0x0], $0xffff;
	v2 =	vor.u32 $0x1C, v4  }
0x168: {  	v61 =	vld.idx.msk [tilespmem:v53+s3+$0x0], $0xffff;
	v3 =	vor.u32 $0x1D, v4;
	[tilespmem:v56+s11+$0x0] =	vst.idx.msk $0xffff, v49  }
0x169: {  	s17 =	sadd.s32 $0x4, s17;
	v63 =	vor.u32 $0x1E, v4;
	[tilespmem:v58+s11+$0x0] =	vst.idx.msk $0xffff, v52  }
0x16a: {  	p0 =	slt.u32 s17, $0xC;
	v4 =	vor.u32 $0x1F, v4;
	[tilespmem:v60+s11+$0x0] =	vst.idx.msk $0xffff, v54  }
.Ltmp1:
0x16b: {  	[tilespmem:v62+s11+$0x0] =	vst.idx.msk $0xffff, v55;
	(pc) =	sbr.rel @p0 .LBB2_5-.Ltmp1, $4  }
0x16c: {  	[tilespmem:v2+s11+$0x0] =	vst.idx.msk $0xffff, v57  }
0x16d: {  	[tilespmem:v3+s11+$0x0] =	vst.idx.msk $0xffff, v59  }
0x16e: {  	[tilespmem:v63+s11+$0x0] =	vst.idx.msk $0xffff, v61  }
0x16f: {  	s18 =	sadd.s32 $0x40, s18;
	s19 =	sadd.s32 $0x40, s19;
	[tilespmem:v4+s11+$0x0] =	vst.idx.msk $0xffff, v1  }
0x170: {  	s15 =	sadd.s32 $0x1, s15  }
0x171: {  	p0 =	sne.s32 s15, $0x10  }
.Ltmp2:
0x172: {  	_ = 	snop;
	(pc) =	sbr.rel @p0 .LBB2_2-.Ltmp2, $4  }
0x173: {  	_ = 	snop  }
0x174: {  	s16 =	sshll.u32 s16, $0x4  }
0x175: {  	s16 =	sadd.s32 s5, s16  }
0x176: {  	[hbm4b:s16+s3] =	stream.linear.scatter [tilespmem:s11], [sflag:$0x2], $0x8000, $0x38;
	[tilespmem:$0x14100] =	vst v63  }
0x177: {  	s14 =	sadd.s32 $0x1, s14  }
0x178: {  	_ =	swait.ge [sflag:s12], $0x8000;
	p0 =	sne.s32 s14, s7  }
.Ltmp3:
0x179: {  	[sflag:s12] =	ssyncset.done $0x0;
	(pc) =	sbr.rel @p0 .LBB2_1-.Ltmp3, $4  }
0x17a: {  	[sflag:s12] =	ssyncadd.s32 $0xFFFF8000  }
0x17b: {  	_ =	swait.ge [sflag:s13], $0x8000  }
0x17c: {  	[sflag:s13] =	ssyncset.done $0x0  }
0x17d: {  	[sflag:s13] =	ssyncadd.s32 $0xFFFF8000  }
0x17e: {  	_ =	sfence.sel $0x180000  }
0x17f: {  	[bflag:$0x0] =	sbarrier.arrive $0xFFFF  }
0x180: {  	p0 =	sne.s32 s4, $0x0;
	_ =	strace $0x90000047  }
0x181: {  	s0 =	sadd.s32 @!p0 $0x100000, s0;
	[bflag:$0x2] =	sbarrier.arrive $0xFFFF  }
0x182: {  	[sflag:s0] =	ssyncadd.tile.s32 @!p0 $0x1;
	_ =	shalt  }
.Lfunc_end2:
_tile_overlayer_lowered:
.L_overlay_start_2:
0x183: {  	(tag) =	ssettag $0x2  }
0x184: {  	s0 =	rddreg [dreg:$0x0];
	s2 =	stileid.u32  }
0x185: {  	s1 =	rddreg [dreg:$0x1];
	p0 =	sne.s32 s2, $0x0  }
0x186: {  	s3 =	rddreg [dreg:$0x2];
	[bflag:$0x3] =	sbarrier.arrive $0xFFFF;
	s2 =	simm.s32 @!p0 $0x1C03  }
0x187: {  	[timem:s3], [sflag:s2] =	dma.local @!p0 [hbm:s0], s1  }
0x188: {  	s0 =	simm.s32 @!p0 $0x3  }
0x189: {  	_ =	swait.ge @!p0 [sflag:s0], s1  }
0x18a: {  	s1 =	ssub.s32 @!p0 $0x0, s1;
	[sflag:s0] =	ssyncset.done @!p0 $0x0  }
0x18b: {  	[sflag:s0] =	ssyncadd.s32 @!p0 s1  }
0x18c: {  	[bflag:$0x3] =	sbarrier.arrive $0xFFFF  }
0x18d: {  	_ =	shalt  }

</sc_bundles>
